<compile_context>
chip_gen: v7x
topology: tpu7x:2x2x1
jax: 0.10.2.dev20260603
libtpu: 0.0.44.dev20260713+nightly
codegen_flags: <defaults>
</compile_context>

<pallas_src>
import functools

import jax
import jax.numpy as jnp
from jax import lax
from jax.experimental import pallas as pl
from jax.experimental.pallas import tpu as pltpu
from jax.experimental.pallas import tpu_sc as plsc

N = 10000
N_PAD = 10112
E = 320000
CHUNK = 128
EDGE_ROWS = 2560
E_PAD = EDGE_ROWS * CHUNK
NC = 2
NS = 16
ROWS_PER_TILE = EDGE_ROWS // (NC * NS)
DUMMY = 10048
IN_CH = 128
HID = 32
DEG_W = 8


@functools.cache
def _sc_kernels():
    mesh = plsc.VectorSubcoreMesh(core_axis_name="c", subcore_axis_name="s",
                                  num_cores=NC, num_subcores=NS)

    sc_params = pltpu.CompilerParams(use_tc_tiling_on_sc=False)

    @functools.partial(
        pl.kernel,
        out_type=jax.ShapeDtypeStruct((NC, N_PAD, DEG_W), jnp.float32),
        mesh=mesh,
        compiler_params=sc_params,
        scratch_types=[
            pltpu.VMEM((ROWS_PER_TILE, CHUNK), jnp.int32),
            pltpu.VMEM((CHUNK, DEG_W), jnp.float32),
            pltpu.VMEM_SHARED((N_PAD, DEG_W), jnp.float32),
        ],
    )
    def sc_degree(col_hbm, ones_hbm, zeros_hbm, out_hbm, col_v, ones_v, acc):
        c = lax.axis_index("c")
        s = lax.axis_index("s")
        t = c * NS + s
        pltpu.sync_copy(col_hbm.at[pl.ds(t * ROWS_PER_TILE, ROWS_PER_TILE)],
                        col_v)
        pltpu.sync_copy(ones_hbm, ones_v)
        nrows = N_PAD // NS
        pltpu.sync_copy(zeros_hbm.at[pl.ds(s * nrows, nrows)],
                        acc.at[pl.ds(s * nrows, nrows)])
        plsc.subcore_barrier()

        def body(j, carry):
            pltpu.sync_copy(ones_v, acc.at[col_v.at[j]], add=True)
            return carry

        lax.fori_loop(0, ROWS_PER_TILE, body, 0)
        plsc.subcore_barrier()
        pltpu.sync_copy(acc.at[pl.ds(s * nrows, nrows)],
                        out_hbm.at[c, pl.ds(s * nrows, nrows)])

    @functools.partial(
        pl.kernel,
        out_type=jax.ShapeDtypeStruct((NC, N_PAD, HID), jnp.float32),
        mesh=mesh,
        compiler_params=sc_params,
        scratch_types=[
            pltpu.VMEM((ROWS_PER_TILE, CHUNK), jnp.int32),
            pltpu.VMEM((ROWS_PER_TILE, CHUNK), jnp.int32),
            pltpu.VMEM((CHUNK, HID), jnp.float32),
            pltpu.VMEM((CHUNK, HID), jnp.float32),
            pltpu.VMEM_SHARED((N_PAD, HID), jnp.float32),
            pltpu.SemaphoreType.DMA,
            pltpu.SemaphoreType.DMA,
            pltpu.SemaphoreType.DMA,
            pltpu.SemaphoreType.DMA,
        ],
    )
    def sc_edge_aggregate(y_hbm, row_hbm, col_hbm, zeros_hbm, out_hbm,
                          row_v, col_v, gba, gbb, acc, gsa, gsb, ssa, ssb):
        c = lax.axis_index("c")
        s = lax.axis_index("s")
        t = c * NS + s
        nrows = N_PAD // NS
        esl = pl.ds(t * ROWS_PER_TILE, ROWS_PER_TILE)
        asl = pl.ds(s * nrows, nrows)
        pltpu.async_copy(row_hbm.at[esl], row_v, gsa)
        pltpu.async_copy(col_hbm.at[esl], col_v, gsb)
        pltpu.async_copy(zeros_hbm.at[asl], acc.at[asl], ssa)
        pltpu.make_async_copy(row_hbm.at[esl], row_v, gsa).wait()
        pltpu.make_async_copy(col_hbm.at[esl], col_v, gsb).wait()
        pltpu.make_async_copy(zeros_hbm.at[asl], acc.at[asl], ssa).wait()
        plsc.subcore_barrier()

        pltpu.async_copy(y_hbm.at[row_v.at[0]], gba, gsa)

        def body(j2, carry):
            b0 = j2 * 2
            pltpu.async_copy(y_hbm.at[row_v.at[b0 + 1]], gbb, gsb)
            pltpu.make_async_copy(y_hbm.at[row_v.at[b0]], gba, gsa).wait()
            pltpu.async_copy(gba, acc.at[col_v.at[b0]], ssa, add=True)
            pltpu.make_async_copy(y_hbm.at[row_v.at[b0 + 1]], gbb, gsb).wait()
            pltpu.async_copy(gbb, acc.at[col_v.at[b0 + 1]], ssb, add=True)
            pltpu.make_async_copy(gba, acc.at[col_v.at[b0]], ssa).wait()

            @pl.when(b0 + 2 < ROWS_PER_TILE)
            def _():
                pltpu.async_copy(y_hbm.at[row_v.at[b0 + 2]], gba, gsa)

            pltpu.make_async_copy(gbb, acc.at[col_v.at[b0 + 1]], ssb).wait()
            return carry

        lax.fori_loop(0, ROWS_PER_TILE // 2, body, 0)
        plsc.subcore_barrier()
        pltpu.sync_copy(acc.at[pl.ds(s * nrows, nrows)],
                        out_hbm.at[c, pl.ds(s * nrows, nrows)])

    return sc_degree, sc_edge_aggregate



_RB = 2528


def _tc_prep(x, W1, d0, d1):
    def body(x_ref, w_ref, d0_ref, d1_ref, y_ref, dis_ref):
        dis = lax.rsqrt(d0_ref[...] + d1_ref[...] + 1.0)
        xw = jnp.dot(x_ref[...], w_ref[...], preferred_element_type=jnp.float32)
        y_ref[...] = xw * dis
        dis_ref[...] = dis

    return pl.pallas_call(
        body,
        grid=(N_PAD // _RB,),
        in_specs=[
            pl.BlockSpec((_RB, IN_CH), lambda i: (i, 0)),
            pl.BlockSpec((IN_CH, HID), lambda i: (0, 0)),
            pl.BlockSpec((_RB, 1), lambda i: (i, 0)),
            pl.BlockSpec((_RB, 1), lambda i: (i, 0)),
        ],
        out_specs=[
            pl.BlockSpec((_RB, HID), lambda i: (i, 0)),
            pl.BlockSpec((_RB, 1), lambda i: (i, 0)),
        ],
        out_shape=[
            jax.ShapeDtypeStruct((N_PAD, HID), jnp.float32),
            jax.ShapeDtypeStruct((N_PAD, 1), jnp.float32),
        ],
    )(x, W1, d0, d1)


def _tc_mid(s1, y1, dis, b1, W2):
    def body(s_ref, y_ref, dis_ref, b_ref, w_ref, y2_ref):
        dis = dis_ref[...]
        agg = (s_ref[0] + s_ref[1] + y_ref[...]) * dis + b_ref[...]
        h1 = jnp.maximum(agg, 0.0)
        y2_ref[...] = jnp.dot(h1, w_ref[...],
                              preferred_element_type=jnp.float32) * dis

    return pl.pallas_call(
        body,
        grid=(N_PAD // _RB,),
        in_specs=[
            pl.BlockSpec((NC, _RB, HID), lambda i: (0, i, 0)),
            pl.BlockSpec((_RB, HID), lambda i: (i, 0)),
            pl.BlockSpec((_RB, 1), lambda i: (i, 0)),
            pl.BlockSpec((1, HID), lambda i: (0, 0)),
            pl.BlockSpec((HID, HID), lambda i: (0, 0)),
        ],
        out_specs=pl.BlockSpec((_RB, HID), lambda i: (i, 0)),
        out_shape=jax.ShapeDtypeStruct((N_PAD, HID), jnp.float32),
    )(s1, y1, dis, b1, W2)


def _tc_final(s2, y2, dis, b2, Wl1, bl1, Wl2, bl2):
    def body(s_ref, y_ref, dis_ref, b_ref, wl1_ref, bl1_ref, wl2_ref,
             bl2_ref, o_ref):
        dis = dis_ref[...]
        h2 = jnp.maximum((s_ref[0] + s_ref[1] + y_ref[...]) * dis + b_ref[...],
                         0.0)
        h3 = jnp.maximum(
            jnp.dot(h2, wl1_ref[...], preferred_element_type=jnp.float32)
            + bl1_ref[...], 0.0)
        o_ref[...] = jnp.dot(h3, wl2_ref[...],
                             preferred_element_type=jnp.float32) + bl2_ref[...]

    return pl.pallas_call(
        body,
        grid=(N_PAD // _RB,),
        in_specs=[
            pl.BlockSpec((NC, _RB, HID), lambda i: (0, i, 0)),
            pl.BlockSpec((_RB, HID), lambda i: (i, 0)),
            pl.BlockSpec((_RB, 1), lambda i: (i, 0)),
            pl.BlockSpec((1, HID), lambda i: (0, 0)),
            pl.BlockSpec((HID, HID), lambda i: (0, 0)),
            pl.BlockSpec((1, HID), lambda i: (0, 0)),
            pl.BlockSpec((HID, 1), lambda i: (0, 0)),
            pl.BlockSpec((1, 1), lambda i: (0, 0)),
        ],
        out_specs=pl.BlockSpec((_RB, 1), lambda i: (i, 0)),
        out_shape=jax.ShapeDtypeStruct((N_PAD, 1), jnp.float32),
    )(s2, y2, dis, b2, Wl1, bl1, Wl2, bl2)



def kernel(x, edge_index, W1, b1, W2, b2, Wl1, bl1, Wl2, bl2):
    ei = edge_index.astype(jnp.int32)
    padv = jnp.full((E_PAD - E,), DUMMY, jnp.int32)
    row2d = jnp.concatenate([ei[0], padv]).reshape(EDGE_ROWS, CHUNK)
    col2d = jnp.concatenate([ei[1], padv]).reshape(EDGE_ROWS, CHUNK)
    x_pad = jnp.zeros((N_PAD, IN_CH), jnp.float32).at[:N].set(
        x.astype(jnp.float32))
    zeros_h = jnp.zeros((N_PAD, HID), jnp.float32)
    zeros_d = jnp.zeros((N_PAD, DEG_W), jnp.float32)
    ones_d = jnp.ones((CHUNK, DEG_W), jnp.float32)

    sc_degree, sc_edge_aggregate = _sc_kernels()
    deg_p = sc_degree(col2d, ones_d, zeros_d)
    y1, dis = _tc_prep(x_pad, W1, deg_p[0, :, :1], deg_p[1, :, :1])
    s1 = sc_edge_aggregate(y1, row2d, col2d, zeros_h)
    y2 = _tc_mid(s1, y1, dis, b1.reshape(1, HID), W2)
    s2 = sc_edge_aggregate(y2, row2d, col2d, zeros_h)
    out = _tc_final(s2, y2, dis, b2.reshape(1, HID), Wl1,
                    bl1.reshape(1, HID), Wl2, bl2.reshape(1, 1))
    return out[:N]

# --- scband reference (transcript-rebuilt; emitter-appended) ---
"""Pipeline reference for scband-base-model-27857157882299 (READ-ONLY COPY).

The authoritative reference and input builder live on the scoring server;
editing this copy changes nothing except your own understanding.
"""

import jax, jax.numpy as jnp
import numpy as np

N_NODES = 10000
N_EDGES = 320000
IN_CH = 128
HID = 32


def gcn_conv(x, edge_index, W, b):
    num_nodes = x.shape[0]
    row = edge_index[0]
    col = edge_index[1]
    # add self loops (PyG GCNConv default add_self_loops=True)
    loop = jnp.arange(num_nodes, dtype=edge_index.dtype)
    row = jnp.concatenate([row, loop])
    col = jnp.concatenate([col, loop])
    edge_weight = jnp.ones(row.shape[0], dtype=x.dtype)
    # symmetric normalization: deg computed on target (col)
    deg = jnp.zeros(num_nodes, dtype=x.dtype).at[col].add(edge_weight)
    deg_inv_sqrt = jnp.where(deg > 0, jax.lax.rsqrt(deg), 0.0)
    norm = deg_inv_sqrt[row] * edge_weight * deg_inv_sqrt[col]
    # linear transform then propagate
    xw = x @ W
    msg = xw[row] * norm[:, None]
    out = jnp.zeros((num_nodes, xw.shape[1]), dtype=x.dtype).at[col].add(msg)
    return out + b


def setup_inputs(seed: int = 0) -> dict:
    key = jax.random.key(seed)
    ks = jax.random.split(key, 10)
    x = jax.random.normal(ks[0], (N_NODES, IN_CH), dtype=jnp.float32)
    edge_index = jax.random.randint(ks[1], (2, N_EDGES), 0, N_NODES, dtype=jnp.int64)
    # GCNConv weights: W [in, out], bias [out]
    W1 = jax.random.normal(ks[2], (IN_CH, HID), dtype=jnp.float32) * (1.0 / np.sqrt(IN_CH))
    b1 = jnp.zeros((HID,), dtype=jnp.float32)
    W2 = jax.random.normal(ks[3], (HID, HID), dtype=jnp.float32) * (1.0 / np.sqrt(HID))
    b2 = jnp.zeros((HID,), dtype=jnp.float32)
    Wl1 = jax.random.normal(ks[4], (HID, HID), dtype=jnp.float32) * (1.0 / np.sqrt(HID))
    bl1 = jax.random.normal(ks[5], (HID,), dtype=jnp.float32) * (1.0 / np.sqrt(HID))
    Wl2 = jax.random.normal(ks[6], (HID, 1), dtype=jnp.float32) * (1.0 / np.sqrt(HID))
    bl2 = jax.random.normal(ks[7], (1,), dtype=jnp.float32) * (1.0 / np.sqrt(HID))
    return {"x": x, "edge_index": edge_index, "W1": W1, "b1": b1, "W2": W2, "b2": b2, "Wl1": Wl1, "bl1": bl1, "Wl2": Wl2, "bl2": bl2}


def reference(x, edge_index, W1, b1, W2, b2, Wl1, bl1, Wl2, bl2):
    h = jax.nn.relu(gcn_conv(x.astype(jnp.float32), edge_index, W1, b1))
    h = jax.nn.relu(gcn_conv(h, edge_index, W2, b2))
    h = jax.nn.relu(h @ Wl1 + bl1)
    out = h @ Wl2 + bl2
    return out

if __name__ == "__main__":
    import jax
    _d = setup_inputs()
    print(jax.jit(kernel)(*tuple(_d.values())))

</pallas_src>

<mosaic_0001>
#map = affine_map<(d0, d1) -> (0, 0)>
#map1 = affine_map<(d0, d1) -> (0, 0, 0)>
module attributes {stable_mosaic.version = 14 : i64} {
  func.func @sc_degree(%arg0: i32, %arg1: i32, %arg2: memref<2560x128xi32, #tpu.memory_space<hbm>>, %arg3: memref<128x8xf32, #tpu.memory_space<hbm>>, %arg4: memref<10112x8xf32, #tpu.memory_space<hbm>>, %arg5: memref<2x10112x8xf32, #tpu.memory_space<hbm>>, %arg6: memref<80x128xi32, #tpu.memory_space<vmem>>, %arg7: memref<128x8xf32, #tpu.memory_space<vmem>>, %arg8: memref<10112x8xf32, #tpu.memory_space<vmem_shared>>) attributes {dimension_semantics = [#tpu.dimension_semantics<core_parallel>, #tpu.dimension_semantics<subcore_parallel>], iteration_bounds = array<i64: 2, 16>, scalar_prefetch = 0 : i64, scratch_operands = 3 : i64, tpu.core_type = #tpu.core_type<sc_vector_subcore>, window_params = [{transform_indices = #map}, {transform_indices = #map}, {transform_indices = #map}, {transform_indices = #map1}]} {
    %mul3A = arith.constant 16 : i32
    %mul3A_0 = arith.muli %arg0, %mul3A : i32
    %add3A = arith.addi %mul3A_0, %arg1 : i32
    %mul3A_1 = arith.constant 80 : i32
    %mul3A_2 = arith.muli %add3A, %mul3A_1 : i32
    "tpu.region"() ({
      %run_scoped3A = tpu.sem_alloc : memref<!tpu.dma_semaphore, #tpu.memory_space<semaphore_mem>>
      %dma_start3A = arith.constant 0 : i32
      %dma_start3A_17 = tpu.memref_slice %arg2[%mul3A_2, %dma_start3A] : memref<2560x128xi32, #tpu.memory_space<hbm>> -> memref<80x128xi32, #tpu.memory_space<hbm>>
      %dma_start3A_18 = arith.constant 0 : i32
      %dma_start3A_19 = tpu.memref_slice %arg2[%mul3A_2, %dma_start3A_18] : memref<2560x128xi32, #tpu.memory_space<hbm>> -> memref<80x128xi32, #tpu.memory_space<hbm>>
      tpu.enqueue_dma source(%dma_start3A_19 : memref<80x128xi32, #tpu.memory_space<hbm>>) target(%arg6 : memref<80x128xi32, #tpu.memory_space<vmem>>) target_semaphore(%run_scoped3A : memref<!tpu.dma_semaphore, #tpu.memory_space<semaphore_mem>>)
      %dma_wait3A = arith.constant 0 : i32
      %dma_wait3A_20 = tpu.memref_slice %arg2[%mul3A_2, %dma_wait3A] : memref<2560x128xi32, #tpu.memory_space<hbm>> -> memref<80x128xi32, #tpu.memory_space<hbm>>
      %dma_wait3A_21 = arith.constant 0 : i32
      %dma_wait3A_22 = tpu.memref_slice %arg2[%mul3A_2, %dma_wait3A_21] : memref<2560x128xi32, #tpu.memory_space<hbm>> -> memref<80x128xi32, #tpu.memory_space<hbm>>
      tpu.wait_dma2 semaphore(%run_scoped3A : memref<!tpu.dma_semaphore, #tpu.memory_space<semaphore_mem>>) src(%dma_wait3A_22 : memref<80x128xi32, #tpu.memory_space<hbm>>) dst(%arg6 : memref<80x128xi32, #tpu.memory_space<vmem>>)
      tpu.yield
    }) : () -> ()
    "tpu.region"() ({
      %run_scoped3A = tpu.sem_alloc : memref<!tpu.dma_semaphore, #tpu.memory_space<semaphore_mem>>
      tpu.enqueue_dma source(%arg3 : memref<128x8xf32, #tpu.memory_space<hbm>>) target(%arg7 : memref<128x8xf32, #tpu.memory_space<vmem>>) target_semaphore(%run_scoped3A : memref<!tpu.dma_semaphore, #tpu.memory_space<semaphore_mem>>)
      tpu.wait_dma2 semaphore(%run_scoped3A : memref<!tpu.dma_semaphore, #tpu.memory_space<semaphore_mem>>) src(%arg3 : memref<128x8xf32, #tpu.memory_space<hbm>>) dst(%arg7 : memref<128x8xf32, #tpu.memory_space<vmem>>)
      tpu.yield
    }) : () -> ()
    %mul3A_3 = arith.constant 632 : i32
    %mul3A_4 = arith.muli %arg1, %mul3A_3 : i32
    %mul3A_5 = arith.constant 632 : i32
    %mul3A_6 = arith.muli %arg1, %mul3A_5 : i32
    "tpu.region"() ({
      %run_scoped3A = tpu.sem_alloc : memref<!tpu.dma_semaphore, #tpu.memory_space<semaphore_mem>>
      %dma_start3A = arith.constant 0 : i32
      %dma_start3A_17 = tpu.memref_slice %arg8[%mul3A_6, %dma_start3A] : memref<10112x8xf32, #tpu.memory_space<vmem_shared>> -> memref<632x8xf32, #tpu.memory_space<vmem_shared>>
      %dma_start3A_18 = arith.constant 0 : i32
      %dma_start3A_19 = tpu.memref_slice %arg4[%mul3A_4, %dma_start3A_18] : memref<10112x8xf32, #tpu.memory_space<hbm>> -> memref<632x8xf32, #tpu.memory_space<hbm>>
      tpu.enqueue_dma source(%dma_start3A_19 : memref<632x8xf32, #tpu.memory_space<hbm>>) target(%dma_start3A_17 : memref<632x8xf32, #tpu.memory_space<vmem_shared>>) target_semaphore(%run_scoped3A : memref<!tpu.dma_semaphore, #tpu.memory_space<semaphore_mem>>)
      %dma_wait3A = arith.constant 0 : i32
      %dma_wait3A_20 = tpu.memref_slice %arg8[%mul3A_6, %dma_wait3A] : memref<10112x8xf32, #tpu.memory_space<vmem_shared>> -> memref<632x8xf32, #tpu.memory_space<vmem_shared>>
      %dma_wait3A_21 = arith.constant 0 : i32
      %dma_wait3A_22 = tpu.memref_slice %arg4[%mul3A_4, %dma_wait3A_21] : memref<10112x8xf32, #tpu.memory_space<hbm>> -> memref<632x8xf32, #tpu.memory_space<hbm>>
      tpu.wait_dma2 semaphore(%run_scoped3A : memref<!tpu.dma_semaphore, #tpu.memory_space<semaphore_mem>>) src(%dma_wait3A_22 : memref<632x8xf32, #tpu.memory_space<hbm>>) dst(%dma_wait3A_20 : memref<632x8xf32, #tpu.memory_space<vmem_shared>>)
      tpu.yield
    }) : () -> ()
    %barrier3A = arith.constant 0 : index
    tpu.barrier barrier_id(%barrier3A)
    %scan3A = arith.constant 0 : i32
    %scan3A_7 = arith.constant 0 : i32
    %scan3A_8 = arith.constant 80 : i32
    %scan3A_9 = arith.addi %scan3A_7, %scan3A_8 : i32
    %scan3A_10 = arith.constant 1 : i32
    scf.for %scan3A_17 = %scan3A_7 to %scan3A_9 step %scan3A_10  : i32 {
      "tpu.region"() ({
        %run_scoped3A = tpu.sem_alloc : memref<!tpu.dma_semaphore, #tpu.memory_space<semaphore_mem>>
        %dma_start3A = arith.constant 0 : i32
        %dma_start3A_18 = tpu.memref_slice %arg6[%scan3A_17, %dma_start3A] : memref<80x128xi32, #tpu.memory_space<vmem>> -> memref<1x128xi32, #tpu.memory_space<vmem>>
        %dma_start3A_19 = tpu.memref_squeeze %dma_start3A_18 : memref<1x128xi32, #tpu.memory_space<vmem>> -> memref<128xi32, #tpu.memory_space<vmem>>
        %dma_start3A_20 = arith.constant 0 : i32
        %dma_start3A_21 = arith.constant 0 : i32
        %dma_start3A_22 = tpu.memref_slice %arg8[%dma_start3A_20, %dma_start3A_21] : memref<10112x8xf32, #tpu.memory_space<vmem_shared>> -> memref<10112x8xf32, #tpu.memory_space<vmem_shared>>
        tpu.enqueue_indirect_dma source(%arg7 : memref<128x8xf32, #tpu.memory_space<vmem>>) target(%dma_start3A_22 : memref<10112x8xf32, #tpu.memory_space<vmem_shared>>) offsets(%dma_start3A_19 : memref<128xi32, #tpu.memory_space<vmem>>) semaphore(%run_scoped3A : memref<!tpu.dma_semaphore, #tpu.memory_space<semaphore_mem>>) {add = true}
        %dma_wait3A = arith.constant 0 : i32
        %dma_wait3A_23 = tpu.memref_slice %arg6[%scan3A_17, %dma_wait3A] : memref<80x128xi32, #tpu.memory_space<vmem>> -> memref<1x128xi32, #tpu.memory_space<vmem>>
        %dma_wait3A_24 = tpu.memref_squeeze %dma_wait3A_23 : memref<1x128xi32, #tpu.memory_space<vmem>> -> memref<128xi32, #tpu.memory_space<vmem>>
        %dma_wait3A_25 = arith.constant 0 : i32
        %dma_wait3A_26 = arith.constant 0 : i32
        %dma_wait3A_27 = tpu.memref_slice %arg8[%dma_wait3A_25, %dma_wait3A_26] : memref<10112x8xf32, #tpu.memory_space<vmem_shared>> -> memref<10112x8xf32, #tpu.memory_space<vmem_shared>>
        tpu.wait_indirect_dma semaphore(%run_scoped3A : memref<!tpu.dma_semaphore, #tpu.memory_space<semaphore_mem>>) src(%arg7 : memref<128x8xf32, #tpu.memory_space<vmem>>) dst(%dma_wait3A_27 : memref<10112x8xf32, #tpu.memory_space<vmem_shared>>)
        tpu.yield
      }) : () -> ()
    }
    %scan3A_11 = arith.constant 80 : i32
    %barrier3A_12 = arith.constant 0 : index
    tpu.barrier barrier_id(%barrier3A_12)
    %mul3A_13 = arith.constant 632 : i32
    %mul3A_14 = arith.muli %arg1, %mul3A_13 : i32
    %mul3A_15 = arith.constant 632 : i32
    %mul3A_16 = arith.muli %arg1, %mul3A_15 : i32
    "tpu.region"() ({
      %run_scoped3A = tpu.sem_alloc : memref<!tpu.dma_semaphore, #tpu.memory_space<semaphore_mem>>
      %dma_start3A = arith.constant 0 : i32
      %dma_start3A_17 = tpu.memref_slice %arg5[%arg0, %mul3A_16, %dma_start3A] : memref<2x10112x8xf32, #tpu.memory_space<hbm>> -> memref<1x632x8xf32, #tpu.memory_space<hbm>>
      %dma_start3A_18 = tpu.memref_squeeze %dma_start3A_17 : memref<1x632x8xf32, #tpu.memory_space<hbm>> -> memref<632x8xf32, #tpu.memory_space<hbm>>
      %dma_start3A_19 = arith.constant 0 : i32
      %dma_start3A_20 = tpu.memref_slice %arg8[%mul3A_14, %dma_start3A_19] : memref<10112x8xf32, #tpu.memory_space<vmem_shared>> -> memref<632x8xf32, #tpu.memory_space<vmem_shared>>
      tpu.enqueue_dma source(%dma_start3A_20 : memref<632x8xf32, #tpu.memory_space<vmem_shared>>) target(%dma_start3A_18 : memref<632x8xf32, #tpu.memory_space<hbm>>) target_semaphore(%run_scoped3A : memref<!tpu.dma_semaphore, #tpu.memory_space<semaphore_mem>>)
      %dma_wait3A = arith.constant 0 : i32
      %dma_wait3A_21 = tpu.memref_slice %arg5[%arg0, %mul3A_16, %dma_wait3A] : memref<2x10112x8xf32, #tpu.memory_space<hbm>> -> memref<1x632x8xf32, #tpu.memory_space<hbm>>
      %dma_wait3A_22 = tpu.memref_squeeze %dma_wait3A_21 : memref<1x632x8xf32, #tpu.memory_space<hbm>> -> memref<632x8xf32, #tpu.memory_space<hbm>>
      %dma_wait3A_23 = arith.constant 0 : i32
      %dma_wait3A_24 = tpu.memref_slice %arg8[%mul3A_14, %dma_wait3A_23] : memref<10112x8xf32, #tpu.memory_space<vmem_shared>> -> memref<632x8xf32, #tpu.memory_space<vmem_shared>>
      tpu.wait_dma2 semaphore(%run_scoped3A : memref<!tpu.dma_semaphore, #tpu.memory_space<semaphore_mem>>) src(%dma_wait3A_24 : memref<632x8xf32, #tpu.memory_space<vmem_shared>>) dst(%dma_wait3A_22 : memref<632x8xf32, #tpu.memory_space<hbm>>)
      tpu.yield
    }) : () -> ()
    return
  }
}

#map = affine_map<(d0, d1) -> (0, 0)>
#map1 = affine_map<(d0, d1) -> (0, 0, 0)>
module attributes {stable_mosaic.version = 14 : i64} {
  func.func @sc_edge_aggregate(%arg0: i32, %arg1: i32, %arg2: memref<10112x32xf32, #tpu.memory_space<hbm>>, %arg3: memref<2560x128xi32, #tpu.memory_space<hbm>>, %arg4: memref<2560x128xi32, #tpu.memory_space<hbm>>, %arg5: memref<10112x32xf32, #tpu.memory_space<hbm>>, %arg6: memref<2x10112x32xf32, #tpu.memory_space<hbm>>, %arg7: memref<80x128xi32, #tpu.memory_space<vmem>>, %arg8: memref<80x128xi32, #tpu.memory_space<vmem>>, %arg9: memref<128x32xf32, #tpu.memory_space<vmem>>, %arg10: memref<128x32xf32, #tpu.memory_space<vmem>>, %arg11: memref<10112x32xf32, #tpu.memory_space<vmem_shared>>, %arg12: memref<!tpu.dma_semaphore, #tpu.memory_space<semaphore_mem>>, %arg13: memref<!tpu.dma_semaphore, #tpu.memory_space<semaphore_mem>>, %arg14: memref<!tpu.dma_semaphore, #tpu.memory_space<semaphore_mem>>, %arg15: memref<!tpu.dma_semaphore, #tpu.memory_space<semaphore_mem>>) attributes {dimension_semantics = [#tpu.dimension_semantics<core_parallel>, #tpu.dimension_semantics<subcore_parallel>], iteration_bounds = array<i64: 2, 16>, scalar_prefetch = 0 : i64, scratch_operands = 9 : i64, tpu.core_type = #tpu.core_type<sc_vector_subcore>, window_params = [{transform_indices = #map}, {transform_indices = #map}, {transform_indices = #map}, {transform_indices = #map}, {transform_indices = #map1}]} {
    %mul3A = arith.constant 16 : i32
    %mul3A_0 = arith.muli %arg0, %mul3A : i32
    %add3A = arith.addi %mul3A_0, %arg1 : i32
    %mul3A_1 = arith.constant 80 : i32
    %mul3A_2 = arith.muli %add3A, %mul3A_1 : i32
    %mul3A_3 = arith.constant 632 : i32
    %mul3A_4 = arith.muli %arg1, %mul3A_3 : i32
    %dma_start3A = arith.constant 0 : i32
    %dma_start3A_5 = tpu.memref_slice %arg3[%mul3A_2, %dma_start3A] : memref<2560x128xi32, #tpu.memory_space<hbm>> -> memref<80x128xi32, #tpu.memory_space<hbm>>
    %dma_start3A_6 = arith.constant 0 : i32
    %dma_start3A_7 = tpu.memref_slice %arg3[%mul3A_2, %dma_start3A_6] : memref<2560x128xi32, #tpu.memory_space<hbm>> -> memref<80x128xi32, #tpu.memory_space<hbm>>
    tpu.enqueue_dma source(%dma_start3A_7 : memref<80x128xi32, #tpu.memory_space<hbm>>) target(%arg7 : memref<80x128xi32, #tpu.memory_space<vmem>>) target_semaphore(%arg12 : memref<!tpu.dma_semaphore, #tpu.memory_space<semaphore_mem>>)
    %dma_start3A_8 = arith.constant 0 : i32
    %dma_start3A_9 = tpu.memref_slice %arg4[%mul3A_2, %dma_start3A_8] : memref<2560x128xi32, #tpu.memory_space<hbm>> -> memref<80x128xi32, #tpu.memory_space<hbm>>
    %dma_start3A_10 = arith.constant 0 : i32
    %dma_start3A_11 = tpu.memref_slice %arg4[%mul3A_2, %dma_start3A_10] : memref<2560x128xi32, #tpu.memory_space<hbm>> -> memref<80x128xi32, #tpu.memory_space<hbm>>
    tpu.enqueue_dma source(%dma_start3A_11 : memref<80x128xi32, #tpu.memory_space<hbm>>) target(%arg8 : memref<80x128xi32, #tpu.memory_space<vmem>>) target_semaphore(%arg13 : memref<!tpu.dma_semaphore, #tpu.memory_space<semaphore_mem>>)
    %dma_start3A_12 = arith.constant 0 : i32
    %dma_start3A_13 = tpu.memref_slice %arg11[%mul3A_4, %dma_start3A_12] : memref<10112x32xf32, #tpu.memory_space<vmem_shared>> -> memref<632x32xf32, #tpu.memory_space<vmem_shared>>
    %dma_start3A_14 = arith.constant 0 : i32
    %dma_start3A_15 = tpu.memref_slice %arg5[%mul3A_4, %dma_start3A_14] : memref<10112x32xf32, #tpu.memory_space<hbm>> -> memref<632x32xf32, #tpu.memory_space<hbm>>
    tpu.enqueue_dma source(%dma_start3A_15 : memref<632x32xf32, #tpu.memory_space<hbm>>) target(%dma_start3A_13 : memref<632x32xf32, #tpu.memory_space<vmem_shared>>) target_semaphore(%arg14 : memref<!tpu.dma_semaphore, #tpu.memory_space<semaphore_mem>>)
    %dma_wait3A = arith.constant 0 : i32
    %dma_wait3A_16 = tpu.memref_slice %arg3[%mul3A_2, %dma_wait3A] : memref<2560x128xi32, #tpu.memory_space<hbm>> -> memref<80x128xi32, #tpu.memory_space<hbm>>
    %dma_wait3A_17 = arith.constant 0 : i32
    %dma_wait3A_18 = tpu.memref_slice %arg3[%mul3A_2, %dma_wait3A_17] : memref<2560x128xi32, #tpu.memory_space<hbm>> -> memref<80x128xi32, #tpu.memory_space<hbm>>
    tpu.wait_dma2 semaphore(%arg12 : memref<!tpu.dma_semaphore, #tpu.memory_space<semaphore_mem>>) src(%dma_wait3A_18 : memref<80x128xi32, #tpu.memory_space<hbm>>) dst(%arg7 : memref<80x128xi32, #tpu.memory_space<vmem>>)
    %dma_wait3A_19 = arith.constant 0 : i32
    %dma_wait3A_20 = tpu.memref_slice %arg4[%mul3A_2, %dma_wait3A_19] : memref<2560x128xi32, #tpu.memory_space<hbm>> -> memref<80x128xi32, #tpu.memory_space<hbm>>
    %dma_wait3A_21 = arith.constant 0 : i32
    %dma_wait3A_22 = tpu.memref_slice %arg4[%mul3A_2, %dma_wait3A_21] : memref<2560x128xi32, #tpu.memory_space<hbm>> -> memref<80x128xi32, #tpu.memory_space<hbm>>
    tpu.wait_dma2 semaphore(%arg13 : memref<!tpu.dma_semaphore, #tpu.memory_space<semaphore_mem>>) src(%dma_wait3A_22 : memref<80x128xi32, #tpu.memory_space<hbm>>) dst(%arg8 : memref<80x128xi32, #tpu.memory_space<vmem>>)
    %dma_wait3A_23 = arith.constant 0 : i32
    %dma_wait3A_24 = tpu.memref_slice %arg11[%mul3A_4, %dma_wait3A_23] : memref<10112x32xf32, #tpu.memory_space<vmem_shared>> -> memref<632x32xf32, #tpu.memory_space<vmem_shared>>
    %dma_wait3A_25 = arith.constant 0 : i32
    %dma_wait3A_26 = tpu.memref_slice %arg5[%mul3A_4, %dma_wait3A_25] : memref<10112x32xf32, #tpu.memory_space<hbm>> -> memref<632x32xf32, #tpu.memory_space<hbm>>
    tpu.wait_dma2 semaphore(%arg14 : memref<!tpu.dma_semaphore, #tpu.memory_space<semaphore_mem>>) src(%dma_wait3A_26 : memref<632x32xf32, #tpu.memory_space<hbm>>) dst(%dma_wait3A_24 : memref<632x32xf32, #tpu.memory_space<vmem_shared>>)
    %barrier3A = arith.constant 0 : index
    tpu.barrier barrier_id(%barrier3A)
    %dma_start3A_27 = arith.constant 0 : i32
    %dma_start3A_28 = arith.constant 0 : i32
    %dma_start3A_29 = tpu.memref_slice %arg7[%dma_start3A_27, %dma_start3A_28] : memref<80x128xi32, #tpu.memory_space<vmem>> -> memref<1x128xi32, #tpu.memory_space<vmem>>
    %dma_start3A_30 = tpu.memref_squeeze %dma_start3A_29 : memref<1x128xi32, #tpu.memory_space<vmem>> -> memref<128xi32, #tpu.memory_space<vmem>>
    %dma_start3A_31 = arith.constant 0 : i32
    %dma_start3A_32 = arith.constant 0 : i32
    %dma_start3A_33 = tpu.memref_slice %arg2[%dma_start3A_31, %dma_start3A_32] : memref<10112x32xf32, #tpu.memory_space<hbm>> -> memref<10112x32xf32, #tpu.memory_space<hbm>>
    tpu.enqueue_indirect_dma source(%dma_start3A_33 : memref<10112x32xf32, #tpu.memory_space<hbm>>) target(%arg9 : memref<128x32xf32, #tpu.memory_space<vmem>>) offsets(%dma_start3A_30 : memref<128xi32, #tpu.memory_space<vmem>>) semaphore(%arg12 : memref<!tpu.dma_semaphore, #tpu.memory_space<semaphore_mem>>)
    %scan3A = arith.constant 0 : i32
    %scan3A_34 = arith.constant 0 : i32
    %scan3A_35 = arith.constant 40 : i32
    %scan3A_36 = arith.addi %scan3A_34, %scan3A_35 : i32
    %scan3A_37 = arith.constant 1 : i32
    scf.for %scan3A_44 = %scan3A_34 to %scan3A_36 step %scan3A_37  : i32 {
      %mul3A_45 = arith.constant 2 : i32
      %mul3A_46 = arith.muli %scan3A_44, %mul3A_45 : i32
      %add3A_47 = arith.constant 1 : i32
      %add3A_48 = arith.addi %mul3A_46, %add3A_47 : i32
      %dma_start3A_49 = arith.constant 0 : i32
      %dma_start3A_50 = tpu.memref_slice %arg7[%add3A_48, %dma_start3A_49] : memref<80x128xi32, #tpu.memory_space<vmem>> -> memref<1x128xi32, #tpu.memory_space<vmem>>
      %dma_start3A_51 = tpu.memref_squeeze %dma_start3A_50 : memref<1x128xi32, #tpu.memory_space<vmem>> -> memref<128xi32, #tpu.memory_space<vmem>>
      %dma_start3A_52 = arith.constant 0 : i32
      %dma_start3A_53 = arith.constant 0 : i32
      %dma_start3A_54 = tpu.memref_slice %arg2[%dma_start3A_52, %dma_start3A_53] : memref<10112x32xf32, #tpu.memory_space<hbm>> -> memref<10112x32xf32, #tpu.memory_space<hbm>>
      tpu.enqueue_indirect_dma source(%dma_start3A_54 : memref<10112x32xf32, #tpu.memory_space<hbm>>) target(%arg10 : memref<128x32xf32, #tpu.memory_space<vmem>>) offsets(%dma_start3A_51 : memref<128xi32, #tpu.memory_space<vmem>>) semaphore(%arg13 : memref<!tpu.dma_semaphore, #tpu.memory_space<semaphore_mem>>)
      %dma_wait3A_55 = arith.constant 0 : i32
      %dma_wait3A_56 = tpu.memref_slice %arg7[%mul3A_46, %dma_wait3A_55] : memref<80x128xi32, #tpu.memory_space<vmem>> -> memref<1x128xi32, #tpu.memory_space<vmem>>
      %dma_wait3A_57 = tpu.memref_squeeze %dma_wait3A_56 : memref<1x128xi32, #tpu.memory_space<vmem>> -> memref<128xi32, #tpu.memory_space<vmem>>
      %dma_wait3A_58 = arith.constant 0 : i32
      %dma_wait3A_59 = arith.constant 0 : i32
      %dma_wait3A_60 = tpu.memref_slice %arg2[%dma_wait3A_58, %dma_wait3A_59] : memref<10112x32xf32, #tpu.memory_space<hbm>> -> memref<10112x32xf32, #tpu.memory_space<hbm>>
      tpu.wait_indirect_dma semaphore(%arg12 : memref<!tpu.dma_semaphore, #tpu.memory_space<semaphore_mem>>) src(%dma_wait3A_60 : memref<10112x32xf32, #tpu.memory_space<hbm>>) dst(%arg9 : memref<128x32xf32, #tpu.memory_space<vmem>>)
      %dma_start3A_61 = arith.constant 0 : i32
      %dma_start3A_62 = tpu.memref_slice %arg8[%mul3A_46, %dma_start3A_61] : memref<80x128xi32, #tpu.memory_space<vmem>> -> memref<1x128xi32, #tpu.memory_space<vmem>>
      %dma_start3A_63 = tpu.memref_squeeze %dma_start3A_62 : memref<1x128xi32, #tpu.memory_space<vmem>> -> memref<128xi32, #tpu.memory_space<vmem>>
      %dma_start3A_64 = arith.constant 0 : i32
      %dma_start3A_65 = arith.constant 0 : i32
      %dma_start3A_66 = tpu.memref_slice %arg11[%dma_start3A_64, %dma_start3A_65] : memref<10112x32xf32, #tpu.memory_space<vmem_shared>> -> memref<10112x32xf32, #tpu.memory_space<vmem_shared>>
      tpu.enqueue_indirect_dma source(%arg9 : memref<128x32xf32, #tpu.memory_space<vmem>>) target(%dma_start3A_66 : memref<10112x32xf32, #tpu.memory_space<vmem_shared>>) offsets(%dma_start3A_63 : memref<128xi32, #tpu.memory_space<vmem>>) semaphore(%arg14 : memref<!tpu.dma_semaphore, #tpu.memory_space<semaphore_mem>>) {add = true}
      %add3A_67 = arith.constant 1 : i32
      %add3A_68 = arith.addi %mul3A_46, %add3A_67 : i32
      %dma_wait3A_69 = arith.constant 0 : i32
      %dma_wait3A_70 = tpu.memref_slice %arg7[%add3A_68, %dma_wait3A_69] : memref<80x128xi32, #tpu.memory_space<vmem>> -> memref<1x128xi32, #tpu.memory_space<vmem>>
      %dma_wait3A_71 = tpu.memref_squeeze %dma_wait3A_70 : memref<1x128xi32, #tpu.memory_space<vmem>> -> memref<128xi32, #tpu.memory_space<vmem>>
      %dma_wait3A_72 = arith.constant 0 : i32
      %dma_wait3A_73 = arith.constant 0 : i32
      %dma_wait3A_74 = tpu.memref_slice %arg2[%dma_wait3A_72, %dma_wait3A_73] : memref<10112x32xf32, #tpu.memory_space<hbm>> -> memref<10112x32xf32, #tpu.memory_space<hbm>>
      tpu.wait_indirect_dma semaphore(%arg13 : memref<!tpu.dma_semaphore, #tpu.memory_space<semaphore_mem>>) src(%dma_wait3A_74 : memref<10112x32xf32, #tpu.memory_space<hbm>>) dst(%arg10 : memref<128x32xf32, #tpu.memory_space<vmem>>)
      %add3A_75 = arith.constant 1 : i32
      %add3A_76 = arith.addi %mul3A_46, %add3A_75 : i32
      %dma_start3A_77 = arith.constant 0 : i32
      %dma_start3A_78 = tpu.memref_slice %arg8[%add3A_76, %dma_start3A_77] : memref<80x128xi32, #tpu.memory_space<vmem>> -> memref<1x128xi32, #tpu.memory_space<vmem>>
      %dma_start3A_79 = tpu.memref_squeeze %dma_start3A_78 : memref<1x128xi32, #tpu.memory_space<vmem>> -> memref<128xi32, #tpu.memory_space<vmem>>
      %dma_start3A_80 = arith.constant 0 : i32
      %dma_start3A_81 = arith.constant 0 : i32
      %dma_start3A_82 = tpu.memref_slice %arg11[%dma_start3A_80, %dma_start3A_81] : memref<10112x32xf32, #tpu.memory_space<vmem_shared>> -> memref<10112x32xf32, #tpu.memory_space<vmem_shared>>
      tpu.enqueue_indirect_dma source(%arg10 : memref<128x32xf32, #tpu.memory_space<vmem>>) target(%dma_start3A_82 : memref<10112x32xf32, #tpu.memory_space<vmem_shared>>) offsets(%dma_start3A_79 : memref<128xi32, #tpu.memory_space<vmem>>) semaphore(%arg15 : memref<!tpu.dma_semaphore, #tpu.memory_space<semaphore_mem>>) {add = true}
      %dma_wait3A_83 = arith.constant 0 : i32
      %dma_wait3A_84 = tpu.memref_slice %arg8[%mul3A_46, %dma_wait3A_83] : memref<80x128xi32, #tpu.memory_space<vmem>> -> memref<1x128xi32, #tpu.memory_space<vmem>>
      %dma_wait3A_85 = tpu.memref_squeeze %dma_wait3A_84 : memref<1x128xi32, #tpu.memory_space<vmem>> -> memref<128xi32, #tpu.memory_space<vmem>>
      %dma_wait3A_86 = arith.constant 0 : i32
      %dma_wait3A_87 = arith.constant 0 : i32
      %dma_wait3A_88 = tpu.memref_slice %arg11[%dma_wait3A_86, %dma_wait3A_87] : memref<10112x32xf32, #tpu.memory_space<vmem_shared>> -> memref<10112x32xf32, #tpu.memory_space<vmem_shared>>
      tpu.wait_indirect_dma semaphore(%arg14 : memref<!tpu.dma_semaphore, #tpu.memory_space<semaphore_mem>>) src(%arg9 : memref<128x32xf32, #tpu.memory_space<vmem>>) dst(%dma_wait3A_88 : memref<10112x32xf32, #tpu.memory_space<vmem_shared>>)
      %add3A_89 = arith.constant 2 : i32
      %add3A_90 = arith.addi %mul3A_46, %add3A_89 : i32
      %lt3A = arith.constant 80 : i32
      %lt3A_91 = arith.cmpi slt, %add3A_90, %lt3A : i32
      %convert_element_type3A = arith.extui %lt3A_91 : i1 to i32
      %cond3A = arith.constant 0 : i32
      %cond3A_92 = arith.cmpi ne, %convert_element_type3A, %cond3A : i32
      scf.if %cond3A_92 {
        %add3A_101 = arith.constant 2 : i32
        %add3A_102 = arith.addi %mul3A_46, %add3A_101 : i32
        %dma_start3A_103 = arith.constant 0 : i32
        %dma_start3A_104 = tpu.memref_slice %arg7[%add3A_102, %dma_start3A_103] : memref<80x128xi32, #tpu.memory_space<vmem>> -> memref<1x128xi32, #tpu.memory_space<vmem>>
        %dma_start3A_105 = tpu.memref_squeeze %dma_start3A_104 : memref<1x128xi32, #tpu.memory_space<vmem>> -> memref<128xi32, #tpu.memory_space<vmem>>
        %dma_start3A_106 = arith.constant 0 : i32
        %dma_start3A_107 = arith.constant 0 : i32
        %dma_start3A_108 = tpu.memref_slice %arg2[%dma_start3A_106, %dma_start3A_107] : memref<10112x32xf32, #tpu.memory_space<hbm>> -> memref<10112x32xf32, #tpu.memory_space<hbm>>
        tpu.enqueue_indirect_dma source(%dma_start3A_108 : memref<10112x32xf32, #tpu.memory_space<hbm>>) target(%arg9 : memref<128x32xf32, #tpu.memory_space<vmem>>) offsets(%dma_start3A_105 : memref<128xi32, #tpu.memory_space<vmem>>) semaphore(%arg12 : memref<!tpu.dma_semaphore, #tpu.memory_space<semaphore_mem>>)
      } else {
      }
      %add3A_93 = arith.constant 1 : i32
      %add3A_94 = arith.addi %mul3A_46, %add3A_93 : i32
      %dma_wait3A_95 = arith.constant 0 : i32
      %dma_wait3A_96 = tpu.memref_slice %arg8[%add3A_94, %dma_wait3A_95] : memref<80x128xi32, #tpu.memory_space<vmem>> -> memref<1x128xi32, #tpu.memory_space<vmem>>
      %dma_wait3A_97 = tpu.memref_squeeze %dma_wait3A_96 : memref<1x128xi32, #tpu.memory_space<vmem>> -> memref<128xi32, #tpu.memory_space<vmem>>
      %dma_wait3A_98 = arith.constant 0 : i32
      %dma_wait3A_99 = arith.constant 0 : i32
      %dma_wait3A_100 = tpu.memref_slice %arg11[%dma_wait3A_98, %dma_wait3A_99] : memref<10112x32xf32, #tpu.memory_space<vmem_shared>> -> memref<10112x32xf32, #tpu.memory_space<vmem_shared>>
      tpu.wait_indirect_dma semaphore(%arg15 : memref<!tpu.dma_semaphore, #tpu.memory_space<semaphore_mem>>) src(%arg10 : memref<128x32xf32, #tpu.memory_space<vmem>>) dst(%dma_wait3A_100 : memref<10112x32xf32, #tpu.memory_space<vmem_shared>>)
    }
    %scan3A_38 = arith.constant 40 : i32
    %barrier3A_39 = arith.constant 0 : index
    tpu.barrier barrier_id(%barrier3A_39)
    %mul3A_40 = arith.constant 632 : i32
    %mul3A_41 = arith.muli %arg1, %mul3A_40 : i32
    %mul3A_42 = arith.constant 632 : i32
    %mul3A_43 = arith.muli %arg1, %mul3A_42 : i32
    "tpu.region"() ({
      %run_scoped3A = tpu.sem_alloc : memref<!tpu.dma_semaphore, #tpu.memory_space<semaphore_mem>>
      %dma_start3A_44 = arith.constant 0 : i32
      %dma_start3A_45 = tpu.memref_slice %arg6[%arg0, %mul3A_43, %dma_start3A_44] : memref<2x10112x32xf32, #tpu.memory_space<hbm>> -> memref<1x632x32xf32, #tpu.memory_space<hbm>>
      %dma_start3A_46 = tpu.memref_squeeze %dma_start3A_45 : memref<1x632x32xf32, #tpu.memory_space<hbm>> -> memref<632x32xf32, #tpu.memory_space<hbm>>
      %dma_start3A_47 = arith.constant 0 : i32
      %dma_start3A_48 = tpu.memref_slice %arg11[%mul3A_41, %dma_start3A_47] : memref<10112x32xf32, #tpu.memory_space<vmem_shared>> -> memref<632x32xf32, #tpu.memory_space<vmem_shared>>
      tpu.enqueue_dma source(%dma_start3A_48 : memref<632x32xf32, #tpu.memory_space<vmem_shared>>) target(%dma_start3A_46 : memref<632x32xf32, #tpu.memory_space<hbm>>) target_semaphore(%run_scoped3A : memref<!tpu.dma_semaphore, #tpu.memory_space<semaphore_mem>>)
      %dma_wait3A_49 = arith.constant 0 : i32
      %dma_wait3A_50 = tpu.memref_slice %arg6[%arg0, %mul3A_43, %dma_wait3A_49] : memref<2x10112x32xf32, #tpu.memory_space<hbm>> -> memref<1x632x32xf32, #tpu.memory_space<hbm>>
      %dma_wait3A_51 = tpu.memref_squeeze %dma_wait3A_50 : memref<1x632x32xf32, #tpu.memory_space<hbm>> -> memref<632x32xf32, #tpu.memory_space<hbm>>
      %dma_wait3A_52 = arith.constant 0 : i32
      %dma_wait3A_53 = tpu.memref_slice %arg11[%mul3A_41, %dma_wait3A_52] : memref<10112x32xf32, #tpu.memory_space<vmem_shared>> -> memref<632x32xf32, #tpu.memory_space<vmem_shared>>
      tpu.wait_dma2 semaphore(%run_scoped3A : memref<!tpu.dma_semaphore, #tpu.memory_space<semaphore_mem>>) src(%dma_wait3A_53 : memref<632x32xf32, #tpu.memory_space<vmem_shared>>) dst(%dma_wait3A_51 : memref<632x32xf32, #tpu.memory_space<hbm>>)
      tpu.yield
    }) : () -> ()
    return
  }
}

#map = affine_map<(d0, d1) -> (0, 0)>
#map1 = affine_map<(d0, d1) -> (0, 0, 0)>
module attributes {stable_mosaic.version = 14 : i64} {
  func.func @sc_edge_aggregate(%arg0: i32, %arg1: i32, %arg2: memref<10112x32xf32, #tpu.memory_space<hbm>>, %arg3: memref<2560x128xi32, #tpu.memory_space<hbm>>, %arg4: memref<2560x128xi32, #tpu.memory_space<hbm>>, %arg5: memref<10112x32xf32, #tpu.memory_space<hbm>>, %arg6: memref<2x10112x32xf32, #tpu.memory_space<hbm>>, %arg7: memref<80x128xi32, #tpu.memory_space<vmem>>, %arg8: memref<80x128xi32, #tpu.memory_space<vmem>>, %arg9: memref<128x32xf32, #tpu.memory_space<vmem>>, %arg10: memref<128x32xf32, #tpu.memory_space<vmem>>, %arg11: memref<10112x32xf32, #tpu.memory_space<vmem_shared>>, %arg12: memref<!tpu.dma_semaphore, #tpu.memory_space<semaphore_mem>>, %arg13: memref<!tpu.dma_semaphore, #tpu.memory_space<semaphore_mem>>, %arg14: memref<!tpu.dma_semaphore, #tpu.memory_space<semaphore_mem>>, %arg15: memref<!tpu.dma_semaphore, #tpu.memory_space<semaphore_mem>>) attributes {dimension_semantics = [#tpu.dimension_semantics<core_parallel>, #tpu.dimension_semantics<subcore_parallel>], iteration_bounds = array<i64: 2, 16>, scalar_prefetch = 0 : i64, scratch_operands = 9 : i64, tpu.core_type = #tpu.core_type<sc_vector_subcore>, window_params = [{transform_indices = #map}, {transform_indices = #map}, {transform_indices = #map}, {transform_indices = #map}, {transform_indices = #map1}]} {
    %mul3A = arith.constant 16 : i32
    %mul3A_0 = arith.muli %arg0, %mul3A : i32
    %add3A = arith.addi %mul3A_0, %arg1 : i32
    %mul3A_1 = arith.constant 80 : i32
    %mul3A_2 = arith.muli %add3A, %mul3A_1 : i32
    %mul3A_3 = arith.constant 632 : i32
    %mul3A_4 = arith.muli %arg1, %mul3A_3 : i32
    %dma_start3A = arith.constant 0 : i32
    %dma_start3A_5 = tpu.memref_slice %arg3[%mul3A_2, %dma_start3A] : memref<2560x128xi32, #tpu.memory_space<hbm>> -> memref<80x128xi32, #tpu.memory_space<hbm>>
    %dma_start3A_6 = arith.constant 0 : i32
    %dma_start3A_7 = tpu.memref_slice %arg3[%mul3A_2, %dma_start3A_6] : memref<2560x128xi32, #tpu.memory_space<hbm>> -> memref<80x128xi32, #tpu.memory_space<hbm>>
    tpu.enqueue_dma source(%dma_start3A_7 : memref<80x128xi32, #tpu.memory_space<hbm>>) target(%arg7 : memref<80x128xi32, #tpu.memory_space<vmem>>) target_semaphore(%arg12 : memref<!tpu.dma_semaphore, #tpu.memory_space<semaphore_mem>>)
    %dma_start3A_8 = arith.constant 0 : i32
    %dma_start3A_9 = tpu.memref_slice %arg4[%mul3A_2, %dma_start3A_8] : memref<2560x128xi32, #tpu.memory_space<hbm>> -> memref<80x128xi32, #tpu.memory_space<hbm>>
    %dma_start3A_10 = arith.constant 0 : i32
    %dma_start3A_11 = tpu.memref_slice %arg4[%mul3A_2, %dma_start3A_10] : memref<2560x128xi32, #tpu.memory_space<hbm>> -> memref<80x128xi32, #tpu.memory_space<hbm>>
    tpu.enqueue_dma source(%dma_start3A_11 : memref<80x128xi32, #tpu.memory_space<hbm>>) target(%arg8 : memref<80x128xi32, #tpu.memory_space<vmem>>) target_semaphore(%arg13 : memref<!tpu.dma_semaphore, #tpu.memory_space<semaphore_mem>>)
    %dma_start3A_12 = arith.constant 0 : i32
    %dma_start3A_13 = tpu.memref_slice %arg11[%mul3A_4, %dma_start3A_12] : memref<10112x32xf32, #tpu.memory_space<vmem_shared>> -> memref<632x32xf32, #tpu.memory_space<vmem_shared>>
    %dma_start3A_14 = arith.constant 0 : i32
    %dma_start3A_15 = tpu.memref_slice %arg5[%mul3A_4, %dma_start3A_14] : memref<10112x32xf32, #tpu.memory_space<hbm>> -> memref<632x32xf32, #tpu.memory_space<hbm>>
    tpu.enqueue_dma source(%dma_start3A_15 : memref<632x32xf32, #tpu.memory_space<hbm>>) target(%dma_start3A_13 : memref<632x32xf32, #tpu.memory_space<vmem_shared>>) target_semaphore(%arg14 : memref<!tpu.dma_semaphore, #tpu.memory_space<semaphore_mem>>)
    %dma_wait3A = arith.constant 0 : i32
    %dma_wait3A_16 = tpu.memref_slice %arg3[%mul3A_2, %dma_wait3A] : memref<2560x128xi32, #tpu.memory_space<hbm>> -> memref<80x128xi32, #tpu.memory_space<hbm>>
    %dma_wait3A_17 = arith.constant 0 : i32
    %dma_wait3A_18 = tpu.memref_slice %arg3[%mul3A_2, %dma_wait3A_17] : memref<2560x128xi32, #tpu.memory_space<hbm>> -> memref<80x128xi32, #tpu.memory_space<hbm>>
    tpu.wait_dma2 semaphore(%arg12 : memref<!tpu.dma_semaphore, #tpu.memory_space<semaphore_mem>>) src(%dma_wait3A_18 : memref<80x128xi32, #tpu.memory_space<hbm>>) dst(%arg7 : memref<80x128xi32, #tpu.memory_space<vmem>>)
    %dma_wait3A_19 = arith.constant 0 : i32
    %dma_wait3A_20 = tpu.memref_slice %arg4[%mul3A_2, %dma_wait3A_19] : memref<2560x128xi32, #tpu.memory_space<hbm>> -> memref<80x128xi32, #tpu.memory_space<hbm>>
    %dma_wait3A_21 = arith.constant 0 : i32
    %dma_wait3A_22 = tpu.memref_slice %arg4[%mul3A_2, %dma_wait3A_21] : memref<2560x128xi32, #tpu.memory_space<hbm>> -> memref<80x128xi32, #tpu.memory_space<hbm>>
    tpu.wait_dma2 semaphore(%arg13 : memref<!tpu.dma_semaphore, #tpu.memory_space<semaphore_mem>>) src(%dma_wait3A_22 : memref<80x128xi32, #tpu.memory_space<hbm>>) dst(%arg8 : memref<80x128xi32, #tpu.memory_space<vmem>>)
    %dma_wait3A_23 = arith.constant 0 : i32
    %dma_wait3A_24 = tpu.memref_slice %arg11[%mul3A_4, %dma_wait3A_23] : memref<10112x32xf32, #tpu.memory_space<vmem_shared>> -> memref<632x32xf32, #tpu.memory_space<vmem_shared>>
    %dma_wait3A_25 = arith.constant 0 : i32
    %dma_wait3A_26 = tpu.memref_slice %arg5[%mul3A_4, %dma_wait3A_25] : memref<10112x32xf32, #tpu.memory_space<hbm>> -> memref<632x32xf32, #tpu.memory_space<hbm>>
    tpu.wait_dma2 semaphore(%arg14 : memref<!tpu.dma_semaphore, #tpu.memory_space<semaphore_mem>>) src(%dma_wait3A_26 : memref<632x32xf32, #tpu.memory_space<hbm>>) dst(%dma_wait3A_24 : memref<632x32xf32, #tpu.memory_space<vmem_shared>>)
    %barrier3A = arith.constant 0 : index
    tpu.barrier barrier_id(%barrier3A)
    %dma_start3A_27 = arith.constant 0 : i32
    %dma_start3A_28 = arith.constant 0 : i32
    %dma_start3A_29 = tpu.memref_slice %arg7[%dma_start3A_27, %dma_start3A_28] : memref<80x128xi32, #tpu.memory_space<vmem>> -> memref<1x128xi32, #tpu.memory_space<vmem>>
    %dma_start3A_30 = tpu.memref_squeeze %dma_start3A_29 : memref<1x128xi32, #tpu.memory_space<vmem>> -> memref<128xi32, #tpu.memory_space<vmem>>
    %dma_start3A_31 = arith.constant 0 : i32
    %dma_start3A_32 = arith.constant 0 : i32
    %dma_start3A_33 = tpu.memref_slice %arg2[%dma_start3A_31, %dma_start3A_32] : memref<10112x32xf32, #tpu.memory_space<hbm>> -> memref<10112x32xf32, #tpu.memory_space<hbm>>
    tpu.enqueue_indirect_dma source(%dma_start3A_33 : memref<10112x32xf32, #tpu.memory_space<hbm>>) target(%arg9 : memref<128x32xf32, #tpu.memory_space<vmem>>) offsets(%dma_start3A_30 : memref<128xi32, #tpu.memory_space<vmem>>) semaphore(%arg12 : memref<!tpu.dma_semaphore, #tpu.memory_space<semaphore_mem>>)
    %scan3A = arith.constant 0 : i32
    %scan3A_34 = arith.constant 0 : i32
    %scan3A_35 = arith.constant 40 : i32
    %scan3A_36 = arith.addi %scan3A_34, %scan3A_35 : i32
    %scan3A_37 = arith.constant 1 : i32
    scf.for %scan3A_44 = %scan3A_34 to %scan3A_36 step %scan3A_37  : i32 {
      %mul3A_45 = arith.constant 2 : i32
      %mul3A_46 = arith.muli %scan3A_44, %mul3A_45 : i32
      %add3A_47 = arith.constant 1 : i32
      %add3A_48 = arith.addi %mul3A_46, %add3A_47 : i32
      %dma_start3A_49 = arith.constant 0 : i32
      %dma_start3A_50 = tpu.memref_slice %arg7[%add3A_48, %dma_start3A_49] : memref<80x128xi32, #tpu.memory_space<vmem>> -> memref<1x128xi32, #tpu.memory_space<vmem>>
      %dma_start3A_51 = tpu.memref_squeeze %dma_start3A_50 : memref<1x128xi32, #tpu.memory_space<vmem>> -> memref<128xi32, #tpu.memory_space<vmem>>
      %dma_start3A_52 = arith.constant 0 : i32
      %dma_start3A_53 = arith.constant 0 : i32
      %dma_start3A_54 = tpu.memref_slice %arg2[%dma_start3A_52, %dma_start3A_53] : memref<10112x32xf32, #tpu.memory_space<hbm>> -> memref<10112x32xf32, #tpu.memory_space<hbm>>
      tpu.enqueue_indirect_dma source(%dma_start3A_54 : memref<10112x32xf32, #tpu.memory_space<hbm>>) target(%arg10 : memref<128x32xf32, #tpu.memory_space<vmem>>) offsets(%dma_start3A_51 : memref<128xi32, #tpu.memory_space<vmem>>) semaphore(%arg13 : memref<!tpu.dma_semaphore, #tpu.memory_space<semaphore_mem>>)
      %dma_wait3A_55 = arith.constant 0 : i32
      %dma_wait3A_56 = tpu.memref_slice %arg7[%mul3A_46, %dma_wait3A_55] : memref<80x128xi32, #tpu.memory_space<vmem>> -> memref<1x128xi32, #tpu.memory_space<vmem>>
      %dma_wait3A_57 = tpu.memref_squeeze %dma_wait3A_56 : memref<1x128xi32, #tpu.memory_space<vmem>> -> memref<128xi32, #tpu.memory_space<vmem>>
      %dma_wait3A_58 = arith.constant 0 : i32
      %dma_wait3A_59 = arith.constant 0 : i32
      %dma_wait3A_60 = tpu.memref_slice %arg2[%dma_wait3A_58, %dma_wait3A_59] : memref<10112x32xf32, #tpu.memory_space<hbm>> -> memref<10112x32xf32, #tpu.memory_space<hbm>>
      tpu.wait_indirect_dma semaphore(%arg12 : memref<!tpu.dma_semaphore, #tpu.memory_space<semaphore_mem>>) src(%dma_wait3A_60 : memref<10112x32xf32, #tpu.memory_space<hbm>>) dst(%arg9 : memref<128x32xf32, #tpu.memory_space<vmem>>)
      %dma_start3A_61 = arith.constant 0 : i32
      %dma_start3A_62 = tpu.memref_slice %arg8[%mul3A_46, %dma_start3A_61] : memref<80x128xi32, #tpu.memory_space<vmem>> -> memref<1x128xi32, #tpu.memory_space<vmem>>
      %dma_start3A_63 = tpu.memref_squeeze %dma_start3A_62 : memref<1x128xi32, #tpu.memory_space<vmem>> -> memref<128xi32, #tpu.memory_space<vmem>>
      %dma_start3A_64 = arith.constant 0 : i32
      %dma_start3A_65 = arith.constant 0 : i32
      %dma_start3A_66 = tpu.memref_slice %arg11[%dma_start3A_64, %dma_start3A_65] : memref<10112x32xf32, #tpu.memory_space<vmem_shared>> -> memref<10112x32xf32, #tpu.memory_space<vmem_shared>>
      tpu.enqueue_indirect_dma source(%arg9 : memref<128x32xf32, #tpu.memory_space<vmem>>) target(%dma_start3A_66 : memref<10112x32xf32, #tpu.memory_space<vmem_shared>>) offsets(%dma_start3A_63 : memref<128xi32, #tpu.memory_space<vmem>>) semaphore(%arg14 : memref<!tpu.dma_semaphore, #tpu.memory_space<semaphore_mem>>) {add = true}
      %add3A_67 = arith.constant 1 : i32
      %add3A_68 = arith.addi %mul3A_46, %add3A_67 : i32
      %dma_wait3A_69 = arith.constant 0 : i32
      %dma_wait3A_70 = tpu.memref_slice %arg7[%add3A_68, %dma_wait3A_69] : memref<80x128xi32, #tpu.memory_space<vmem>> -> memref<1x128xi32, #tpu.memory_space<vmem>>
      %dma_wait3A_71 = tpu.memref_squeeze %dma_wait3A_70 : memref<1x128xi32, #tpu.memory_space<vmem>> -> memref<128xi32, #tpu.memory_space<vmem>>
      %dma_wait3A_72 = arith.constant 0 : i32
      %dma_wait3A_73 = arith.constant 0 : i32
      %dma_wait3A_74 = tpu.memref_slice %arg2[%dma_wait3A_72, %dma_wait3A_73] : memref<10112x32xf32, #tpu.memory_space<hbm>> -> memref<10112x32xf32, #tpu.memory_space<hbm>>
      tpu.wait_indirect_dma semaphore(%arg13 : memref<!tpu.dma_semaphore, #tpu.memory_space<semaphore_mem>>) src(%dma_wait3A_74 : memref<10112x32xf32, #tpu.memory_space<hbm>>) dst(%arg10 : memref<128x32xf32, #tpu.memory_space<vmem>>)
      %add3A_75 = arith.constant 1 : i32
      %add3A_76 = arith.addi %mul3A_46, %add3A_75 : i32
      %dma_start3A_77 = arith.constant 0 : i32
      %dma_start3A_78 = tpu.memref_slice %arg8[%add3A_76, %dma_start3A_77] : memref<80x128xi32, #tpu.memory_space<vmem>> -> memref<1x128xi32, #tpu.memory_space<vmem>>
      %dma_start3A_79 = tpu.memref_squeeze %dma_start3A_78 : memref<1x128xi32, #tpu.memory_space<vmem>> -> memref<128xi32, #tpu.memory_space<vmem>>
      %dma_start3A_80 = arith.constant 0 : i32
      %dma_start3A_81 = arith.constant 0 : i32
      %dma_start3A_82 = tpu.memref_slice %arg11[%dma_start3A_80, %dma_start3A_81] : memref<10112x32xf32, #tpu.memory_space<vmem_shared>> -> memref<10112x32xf32, #tpu.memory_space<vmem_shared>>
      tpu.enqueue_indirect_dma source(%arg10 : memref<128x32xf32, #tpu.memory_space<vmem>>) target(%dma_start3A_82 : memref<10112x32xf32, #tpu.memory_space<vmem_shared>>) offsets(%dma_start3A_79 : memref<128xi32, #tpu.memory_space<vmem>>) semaphore(%arg15 : memref<!tpu.dma_semaphore, #tpu.memory_space<semaphore_mem>>) {add = true}
      %dma_wait3A_83 = arith.constant 0 : i32
      %dma_wait3A_84 = tpu.memref_slice %arg8[%mul3A_46, %dma_wait3A_83] : memref<80x128xi32, #tpu.memory_space<vmem>> -> memref<1x128xi32, #tpu.memory_space<vmem>>
      %dma_wait3A_85 = tpu.memref_squeeze %dma_wait3A_84 : memref<1x128xi32, #tpu.memory_space<vmem>> -> memref<128xi32, #tpu.memory_space<vmem>>
      %dma_wait3A_86 = arith.constant 0 : i32
      %dma_wait3A_87 = arith.constant 0 : i32
      %dma_wait3A_88 = tpu.memref_slice %arg11[%dma_wait3A_86, %dma_wait3A_87] : memref<10112x32xf32, #tpu.memory_space<vmem_shared>> -> memref<10112x32xf32, #tpu.memory_space<vmem_shared>>
      tpu.wait_indirect_dma semaphore(%arg14 : memref<!tpu.dma_semaphore, #tpu.memory_space<semaphore_mem>>) src(%arg9 : memref<128x32xf32, #tpu.memory_space<vmem>>) dst(%dma_wait3A_88 : memref<10112x32xf32, #tpu.memory_space<vmem_shared>>)
      %add3A_89 = arith.constant 2 : i32
      %add3A_90 = arith.addi %mul3A_46, %add3A_89 : i32
      %lt3A = arith.constant 80 : i32
      %lt3A_91 = arith.cmpi slt, %add3A_90, %lt3A : i32
      %convert_element_type3A = arith.extui %lt3A_91 : i1 to i32
      %cond3A = arith.constant 0 : i32
      %cond3A_92 = arith.cmpi ne, %convert_element_type3A, %cond3A : i32
      scf.if %cond3A_92 {
        %add3A_101 = arith.constant 2 : i32
        %add3A_102 = arith.addi %mul3A_46, %add3A_101 : i32
        %dma_start3A_103 = arith.constant 0 : i32
        %dma_start3A_104 = tpu.memref_slice %arg7[%add3A_102, %dma_start3A_103] : memref<80x128xi32, #tpu.memory_space<vmem>> -> memref<1x128xi32, #tpu.memory_space<vmem>>
        %dma_start3A_105 = tpu.memref_squeeze %dma_start3A_104 : memref<1x128xi32, #tpu.memory_space<vmem>> -> memref<128xi32, #tpu.memory_space<vmem>>
        %dma_start3A_106 = arith.constant 0 : i32
        %dma_start3A_107 = arith.constant 0 : i32
        %dma_start3A_108 = tpu.memref_slice %arg2[%dma_start3A_106, %dma_start3A_107] : memref<10112x32xf32, #tpu.memory_space<hbm>> -> memref<10112x32xf32, #tpu.memory_space<hbm>>
        tpu.enqueue_indirect_dma source(%dma_start3A_108 : memref<10112x32xf32, #tpu.memory_space<hbm>>) target(%arg9 : memref<128x32xf32, #tpu.memory_space<vmem>>) offsets(%dma_start3A_105 : memref<128xi32, #tpu.memory_space<vmem>>) semaphore(%arg12 : memref<!tpu.dma_semaphore, #tpu.memory_space<semaphore_mem>>)
      } else {
      }
      %add3A_93 = arith.constant 1 : i32
      %add3A_94 = arith.addi %mul3A_46, %add3A_93 : i32
      %dma_wait3A_95 = arith.constant 0 : i32
      %dma_wait3A_96 = tpu.memref_slice %arg8[%add3A_94, %dma_wait3A_95] : memref<80x128xi32, #tpu.memory_space<vmem>> -> memref<1x128xi32, #tpu.memory_space<vmem>>
      %dma_wait3A_97 = tpu.memref_squeeze %dma_wait3A_96 : memref<1x128xi32, #tpu.memory_space<vmem>> -> memref<128xi32, #tpu.memory_space<vmem>>
      %dma_wait3A_98 = arith.constant 0 : i32
      %dma_wait3A_99 = arith.constant 0 : i32
      %dma_wait3A_100 = tpu.memref_slice %arg11[%dma_wait3A_98, %dma_wait3A_99] : memref<10112x32xf32, #tpu.memory_space<vmem_shared>> -> memref<10112x32xf32, #tpu.memory_space<vmem_shared>>
      tpu.wait_indirect_dma semaphore(%arg15 : memref<!tpu.dma_semaphore, #tpu.memory_space<semaphore_mem>>) src(%arg10 : memref<128x32xf32, #tpu.memory_space<vmem>>) dst(%dma_wait3A_100 : memref<10112x32xf32, #tpu.memory_space<vmem_shared>>)
    }
    %scan3A_38 = arith.constant 40 : i32
    %barrier3A_39 = arith.constant 0 : index
    tpu.barrier barrier_id(%barrier3A_39)
    %mul3A_40 = arith.constant 632 : i32
    %mul3A_41 = arith.muli %arg1, %mul3A_40 : i32
    %mul3A_42 = arith.constant 632 : i32
    %mul3A_43 = arith.muli %arg1, %mul3A_42 : i32
    "tpu.region"() ({
      %run_scoped3A = tpu.sem_alloc : memref<!tpu.dma_semaphore, #tpu.memory_space<semaphore_mem>>
      %dma_start3A_44 = arith.constant 0 : i32
      %dma_start3A_45 = tpu.memref_slice %arg6[%arg0, %mul3A_43, %dma_start3A_44] : memref<2x10112x32xf32, #tpu.memory_space<hbm>> -> memref<1x632x32xf32, #tpu.memory_space<hbm>>
      %dma_start3A_46 = tpu.memref_squeeze %dma_start3A_45 : memref<1x632x32xf32, #tpu.memory_space<hbm>> -> memref<632x32xf32, #tpu.memory_space<hbm>>
      %dma_start3A_47 = arith.constant 0 : i32
      %dma_start3A_48 = tpu.memref_slice %arg11[%mul3A_41, %dma_start3A_47] : memref<10112x32xf32, #tpu.memory_space<vmem_shared>> -> memref<632x32xf32, #tpu.memory_space<vmem_shared>>
      tpu.enqueue_dma source(%dma_start3A_48 : memref<632x32xf32, #tpu.memory_space<vmem_shared>>) target(%dma_start3A_46 : memref<632x32xf32, #tpu.memory_space<hbm>>) target_semaphore(%run_scoped3A : memref<!tpu.dma_semaphore, #tpu.memory_space<semaphore_mem>>)
      %dma_wait3A_49 = arith.constant 0 : i32
      %dma_wait3A_50 = tpu.memref_slice %arg6[%arg0, %mul3A_43, %dma_wait3A_49] : memref<2x10112x32xf32, #tpu.memory_space<hbm>> -> memref<1x632x32xf32, #tpu.memory_space<hbm>>
      %dma_wait3A_51 = tpu.memref_squeeze %dma_wait3A_50 : memref<1x632x32xf32, #tpu.memory_space<hbm>> -> memref<632x32xf32, #tpu.memory_space<hbm>>
      %dma_wait3A_52 = arith.constant 0 : i32
      %dma_wait3A_53 = tpu.memref_slice %arg11[%mul3A_41, %dma_wait3A_52] : memref<10112x32xf32, #tpu.memory_space<vmem_shared>> -> memref<632x32xf32, #tpu.memory_space<vmem_shared>>
      tpu.wait_dma2 semaphore(%run_scoped3A : memref<!tpu.dma_semaphore, #tpu.memory_space<semaphore_mem>>) src(%dma_wait3A_53 : memref<632x32xf32, #tpu.memory_space<vmem_shared>>) dst(%dma_wait3A_51 : memref<632x32xf32, #tpu.memory_space<hbm>>)
      tpu.yield
    }) : () -> ()
    return
  }
}

module attributes {stable_mosaic.version = 14 : i64} {
  func.func @body(%arg0: i32, %arg1: memref<2528x128xf32, #tpu.memory_space<vmem>>, %arg2: memref<128x32xf32, #tpu.memory_space<vmem>>, %arg3: memref<2528x1xf32, #tpu.memory_space<vmem>>, %arg4: memref<2528x1xf32, #tpu.memory_space<vmem>>, %arg5: memref<2528x32xf32, #tpu.memory_space<vmem>>, %arg6: memref<2528x1xf32, #tpu.memory_space<vmem>>) attributes {dimension_semantics = [#tpu.dimension_semantics<arbitrary>], iteration_bounds = array<i64: 4>, scalar_prefetch = 0 : i64, scratch_operands = 0 : i64, tpu.core_type = #tpu.core_type<tc>, window_params = [{transform_indices = @transform_0, window_bounds = array<i64: 2528, 128>}, {pipeline_mode = #tpu.pipeline_mode<synchronous>, transform_indices = @transform_1, window_bounds = array<i64: 128, 32>}, {transform_indices = @transform_2, window_bounds = array<i64: 2528, 1>}, {transform_indices = @transform_3, window_bounds = array<i64: 2528, 1>}, {transform_indices = @transform_4, window_bounds = array<i64: 2528, 32>}, {transform_indices = @transform_5, window_bounds = array<i64: 2528, 1>}]} {
    %get3A = arith.constant 0 : index
    %get3A_0 = arith.constant 0 : index
    %get3A_1 = vector.load %arg3[%get3A, %get3A_0] : memref<2528x1xf32, #tpu.memory_space<vmem>>, vector<2528x1xf32>
    %get3A_2 = arith.constant 0 : index
    %get3A_3 = arith.constant 0 : index
    %get3A_4 = vector.load %arg4[%get3A_2, %get3A_3] : memref<2528x1xf32, #tpu.memory_space<vmem>>, vector<2528x1xf32>
    %add3A = arith.addf %get3A_1, %get3A_4 : vector<2528x1xf32>
    %add3A_5 = arith.constant 1.000000e+00 : f32
    %add3A_6 = vector.broadcast %add3A_5 : f32 to vector<2528x1xf32>
    %add3A_7 = arith.addf %add3A, %add3A_6 : vector<2528x1xf32>
    %rsqrt3A = math.rsqrt %add3A_7 : vector<2528x1xf32>
    %get3A_8 = arith.constant 0 : index
    %get3A_9 = arith.constant 0 : index
    %get3A_10 = vector.load %arg1[%get3A_8, %get3A_9] : memref<2528x128xf32, #tpu.memory_space<vmem>>, vector<2528x128xf32>
    %get3A_11 = arith.constant 0 : index
    %get3A_12 = arith.constant 0 : index
    %get3A_13 = vector.load %arg2[%get3A_11, %get3A_12] : memref<128x32xf32, #tpu.memory_space<vmem>>, vector<128x32xf32>
    %dot_general3A = arith.constant dense<0.000000e+00> : vector<2528x32xf32>
    %dot_general3A_14 = tpu.matmul %get3A_10, %get3A_13, %dot_general3A {dimension_numbers = #tpu.dot_dimension_numbers<[1], [0], [0], [1], [0, 0, 1, 1], [], []>, transpose_lhs_hint = false} : vector<2528x128xf32>, vector<128x32xf32>, vector<2528x32xf32> -> vector<2528x32xf32>
    %mul3A = vector.broadcast %rsqrt3A : vector<2528x1xf32> to vector<2528x32xf32>
    %mul3A_15 = arith.mulf %dot_general3A_14, %mul3A : vector<2528x32xf32>
    %swap3A = arith.constant 0 : index
    %swap3A_16 = arith.constant 0 : index
    %swap3A_17 = vector.load %arg5[%swap3A, %swap3A_16] : memref<2528x32xf32, #tpu.memory_space<vmem>>, vector<2528x32xf32>
    tpu.vector_store %arg5[%swap3A, %swap3A_16], %mul3A_15 {strides = array<i32>} : memref<2528x32xf32, #tpu.memory_space<vmem>>, vector<2528x32xf32>,
    %swap3A_18 = arith.constant 0 : index
    %swap3A_19 = arith.constant 0 : index
    %swap3A_20 = vector.load %arg6[%swap3A_18, %swap3A_19] : memref<2528x1xf32, #tpu.memory_space<vmem>>, vector<2528x1xf32>
    tpu.vector_store %arg6[%swap3A_18, %swap3A_19], %rsqrt3A {strides = array<i32>} : memref<2528x1xf32, #tpu.memory_space<vmem>>, vector<2528x1xf32>,
    return
  }
  func.func @transform_0(%arg0: i32) -> (i32, i32) {
    %c0_i32 = arith.constant 0 : i32
    %c0_i32_0 = arith.constant 0 : i32
    return %arg0, %c0_i32 : i32, i32
  }
  func.func @transform_1(%arg0: i32) -> (i32, i32) {
    %c0_i32 = arith.constant 0 : i32
    %c0_i32_0 = arith.constant 0 : i32
    %c0_i32_1 = arith.constant 0 : i32
    return %c0_i32, %c0_i32_0 : i32, i32
  }
  func.func @transform_2(%arg0: i32) -> (i32, i32) {
    %c0_i32 = arith.constant 0 : i32
    %c0_i32_0 = arith.constant 0 : i32
    return %arg0, %c0_i32 : i32, i32
  }
  func.func @transform_3(%arg0: i32) -> (i32, i32) {
    %c0_i32 = arith.constant 0 : i32
    %c0_i32_0 = arith.constant 0 : i32
    return %arg0, %c0_i32 : i32, i32
  }
  func.func @transform_4(%arg0: i32) -> (i32, i32) {
    %c0_i32 = arith.constant 0 : i32
    %c0_i32_0 = arith.constant 0 : i32
    return %arg0, %c0_i32 : i32, i32
  }
  func.func @transform_5(%arg0: i32) -> (i32, i32) {
    %c0_i32 = arith.constant 0 : i32
    %c0_i32_0 = arith.constant 0 : i32
    return %arg0, %c0_i32 : i32, i32
  }
}

module attributes {stable_mosaic.version = 14 : i64} {
  func.func @body(%arg0: i32, %arg1: memref<2x2528x32xf32, #tpu.memory_space<vmem>>, %arg2: memref<2528x32xf32, #tpu.memory_space<vmem>>, %arg3: memref<2528x1xf32, #tpu.memory_space<vmem>>, %arg4: memref<1x32xf32, #tpu.memory_space<vmem>>, %arg5: memref<32x32xf32, #tpu.memory_space<vmem>>, %arg6: memref<2528x32xf32, #tpu.memory_space<vmem>>) attributes {dimension_semantics = [#tpu.dimension_semantics<arbitrary>], iteration_bounds = array<i64: 4>, scalar_prefetch = 0 : i64, scratch_operands = 0 : i64, tpu.core_type = #tpu.core_type<tc>, window_params = [{transform_indices = @transform_0, window_bounds = array<i64: 2, 2528, 32>}, {transform_indices = @transform_1, window_bounds = array<i64: 2528, 32>}, {transform_indices = @transform_2, window_bounds = array<i64: 2528, 1>}, {pipeline_mode = #tpu.pipeline_mode<synchronous>, transform_indices = @transform_3, window_bounds = array<i64: 1, 32>}, {pipeline_mode = #tpu.pipeline_mode<synchronous>, transform_indices = @transform_4, window_bounds = array<i64: 32, 32>}, {transform_indices = @transform_5, window_bounds = array<i64: 2528, 32>}]} {
    %get3A = arith.constant 0 : index
    %get3A_0 = arith.constant 0 : index
    %get3A_1 = vector.load %arg3[%get3A, %get3A_0] : memref<2528x1xf32, #tpu.memory_space<vmem>>, vector<2528x1xf32>
    %get3A_2 = arith.constant 0 : index
    %get3A_3 = arith.constant 0 : index
    %get3A_4 = arith.constant 0 : index
    %get3A_5 = vector.load %arg1[%get3A_2, %get3A_3, %get3A_4] : memref<2x2528x32xf32, #tpu.memory_space<vmem>>, vector<1x2528x32xf32>
    %get3A_6 = vector.shape_cast %get3A_5 : vector<1x2528x32xf32> to vector<2528x32xf32>
    %get3A_7 = arith.constant 1 : index
    %get3A_8 = arith.constant 0 : index
    %get3A_9 = arith.constant 0 : index
    %get3A_10 = vector.load %arg1[%get3A_7, %get3A_8, %get3A_9] : memref<2x2528x32xf32, #tpu.memory_space<vmem>>, vector<1x2528x32xf32>
    %get3A_11 = vector.shape_cast %get3A_10 : vector<1x2528x32xf32> to vector<2528x32xf32>
    %add3A = arith.addf %get3A_6, %get3A_11 : vector<2528x32xf32>
    %get3A_12 = arith.constant 0 : index
    %get3A_13 = arith.constant 0 : index
    %get3A_14 = vector.load %arg2[%get3A_12, %get3A_13] : memref<2528x32xf32, #tpu.memory_space<vmem>>, vector<2528x32xf32>
    %add3A_15 = arith.addf %add3A, %get3A_14 : vector<2528x32xf32>
    %mul3A = vector.broadcast %get3A_1 : vector<2528x1xf32> to vector<2528x32xf32>
    %mul3A_16 = arith.mulf %add3A_15, %mul3A : vector<2528x32xf32>
    %get3A_17 = arith.constant 0 : index
    %get3A_18 = arith.constant 0 : index
    %get3A_19 = vector.load %arg4[%get3A_17, %get3A_18] : memref<1x32xf32, #tpu.memory_space<vmem>>, vector<1x32xf32>
    %add3A_20 = vector.broadcast %get3A_19 : vector<1x32xf32> to vector<2528x32xf32>
    %add3A_21 = arith.addf %mul3A_16, %add3A_20 : vector<2528x32xf32>
    %max3A = arith.constant 0.000000e+00 : f32
    %max3A_22 = vector.broadcast %max3A : f32 to vector<2528x32xf32>
    %max3A_23 = arith.maximumf %add3A_21, %max3A_22 : vector<2528x32xf32>
    %get3A_24 = arith.constant 0 : index
    %get3A_25 = arith.constant 0 : index
    %get3A_26 = vector.load %arg5[%get3A_24, %get3A_25] : memref<32x32xf32, #tpu.memory_space<vmem>>, vector<32x32xf32>
    %dot_general3A = arith.constant dense<0.000000e+00> : vector<2528x32xf32>
    %dot_general3A_27 = tpu.matmul %max3A_23, %get3A_26, %dot_general3A {dimension_numbers = #tpu.dot_dimension_numbers<[1], [0], [0], [1], [0, 0, 1, 1], [], []>, transpose_lhs_hint = false} : vector<2528x32xf32>, vector<32x32xf32>, vector<2528x32xf32> -> vector<2528x32xf32>
    %mul3A_28 = vector.broadcast %get3A_1 : vector<2528x1xf32> to vector<2528x32xf32>
    %mul3A_29 = arith.mulf %dot_general3A_27, %mul3A_28 : vector<2528x32xf32>
    %swap3A = arith.constant 0 : index
    %swap3A_30 = arith.constant 0 : index
    %swap3A_31 = vector.load %arg6[%swap3A, %swap3A_30] : memref<2528x32xf32, #tpu.memory_space<vmem>>, vector<2528x32xf32>
    tpu.vector_store %arg6[%swap3A, %swap3A_30], %mul3A_29 {strides = array<i32>} : memref<2528x32xf32, #tpu.memory_space<vmem>>, vector<2528x32xf32>,
    return
  }
  func.func @transform_0(%arg0: i32) -> (i32, i32, i32) {
    %c0_i32 = arith.constant 0 : i32
    %c0_i32_0 = arith.constant 0 : i32
    %c0_i32_1 = arith.constant 0 : i32
    return %c0_i32, %arg0, %c0_i32_0 : i32, i32, i32
  }
  func.func @transform_1(%arg0: i32) -> (i32, i32) {
    %c0_i32 = arith.constant 0 : i32
    %c0_i32_0 = arith.constant 0 : i32
    return %arg0, %c0_i32 : i32, i32
  }
  func.func @transform_2(%arg0: i32) -> (i32, i32) {
    %c0_i32 = arith.constant 0 : i32
    %c0_i32_0 = arith.constant 0 : i32
    return %arg0, %c0_i32 : i32, i32
  }
  func.func @transform_3(%arg0: i32) -> (i32, i32) {
    %c0_i32 = arith.constant 0 : i32
    %c0_i32_0 = arith.constant 0 : i32
    %c0_i32_1 = arith.constant 0 : i32
    return %c0_i32, %c0_i32_0 : i32, i32
  }
  func.func @transform_4(%arg0: i32) -> (i32, i32) {
    %c0_i32 = arith.constant 0 : i32
    %c0_i32_0 = arith.constant 0 : i32
    %c0_i32_1 = arith.constant 0 : i32
    return %c0_i32, %c0_i32_0 : i32, i32
  }
  func.func @transform_5(%arg0: i32) -> (i32, i32) {
    %c0_i32 = arith.constant 0 : i32
    %c0_i32_0 = arith.constant 0 : i32
    return %arg0, %c0_i32 : i32, i32
  }
}

module attributes {stable_mosaic.version = 14 : i64} {
  func.func @body(%arg0: i32, %arg1: memref<2x2528x32xf32, #tpu.memory_space<vmem>>, %arg2: memref<2528x32xf32, #tpu.memory_space<vmem>>, %arg3: memref<2528x1xf32, #tpu.memory_space<vmem>>, %arg4: memref<1x32xf32, #tpu.memory_space<vmem>>, %arg5: memref<32x32xf32, #tpu.memory_space<vmem>>, %arg6: memref<1x32xf32, #tpu.memory_space<vmem>>, %arg7: memref<32x1xf32, #tpu.memory_space<vmem>>, %arg8: memref<1x1xf32, #tpu.memory_space<vmem>>, %arg9: memref<2528x1xf32, #tpu.memory_space<vmem>>) attributes {dimension_semantics = [#tpu.dimension_semantics<arbitrary>], iteration_bounds = array<i64: 4>, scalar_prefetch = 0 : i64, scratch_operands = 0 : i64, tpu.core_type = #tpu.core_type<tc>, window_params = [{transform_indices = @transform_0, window_bounds = array<i64: 2, 2528, 32>}, {transform_indices = @transform_1, window_bounds = array<i64: 2528, 32>}, {transform_indices = @transform_2, window_bounds = array<i64: 2528, 1>}, {pipeline_mode = #tpu.pipeline_mode<synchronous>, transform_indices = @transform_3, window_bounds = array<i64: 1, 32>}, {pipeline_mode = #tpu.pipeline_mode<synchronous>, transform_indices = @transform_4, window_bounds = array<i64: 32, 32>}, {pipeline_mode = #tpu.pipeline_mode<synchronous>, transform_indices = @transform_5, window_bounds = array<i64: 1, 32>}, {pipeline_mode = #tpu.pipeline_mode<synchronous>, transform_indices = @transform_6, window_bounds = array<i64: 32, 1>}, {pipeline_mode = #tpu.pipeline_mode<synchronous>, transform_indices = @transform_7, window_bounds = array<i64: 1, 1>}, {transform_indices = @transform_8, window_bounds = array<i64: 2528, 1>}]} {
    %get3A = arith.constant 0 : index
    %get3A_0 = arith.constant 0 : index
    %get3A_1 = vector.load %arg3[%get3A, %get3A_0] : memref<2528x1xf32, #tpu.memory_space<vmem>>, vector<2528x1xf32>
    %get3A_2 = arith.constant 0 : index
    %get3A_3 = arith.constant 0 : index
    %get3A_4 = arith.constant 0 : index
    %get3A_5 = vector.load %arg1[%get3A_2, %get3A_3, %get3A_4] : memref<2x2528x32xf32, #tpu.memory_space<vmem>>, vector<1x2528x32xf32>
    %get3A_6 = vector.shape_cast %get3A_5 : vector<1x2528x32xf32> to vector<2528x32xf32>
    %get3A_7 = arith.constant 1 : index
    %get3A_8 = arith.constant 0 : index
    %get3A_9 = arith.constant 0 : index
    %get3A_10 = vector.load %arg1[%get3A_7, %get3A_8, %get3A_9] : memref<2x2528x32xf32, #tpu.memory_space<vmem>>, vector<1x2528x32xf32>
    %get3A_11 = vector.shape_cast %get3A_10 : vector<1x2528x32xf32> to vector<2528x32xf32>
    %add3A = arith.addf %get3A_6, %get3A_11 : vector<2528x32xf32>
    %get3A_12 = arith.constant 0 : index
    %get3A_13 = arith.constant 0 : index
    %get3A_14 = vector.load %arg2[%get3A_12, %get3A_13] : memref<2528x32xf32, #tpu.memory_space<vmem>>, vector<2528x32xf32>
    %add3A_15 = arith.addf %add3A, %get3A_14 : vector<2528x32xf32>
    %mul3A = vector.broadcast %get3A_1 : vector<2528x1xf32> to vector<2528x32xf32>
    %mul3A_16 = arith.mulf %add3A_15, %mul3A : vector<2528x32xf32>
    %get3A_17 = arith.constant 0 : index
    %get3A_18 = arith.constant 0 : index
    %get3A_19 = vector.load %arg4[%get3A_17, %get3A_18] : memref<1x32xf32, #tpu.memory_space<vmem>>, vector<1x32xf32>
    %add3A_20 = vector.broadcast %get3A_19 : vector<1x32xf32> to vector<2528x32xf32>
    %add3A_21 = arith.addf %mul3A_16, %add3A_20 : vector<2528x32xf32>
    %max3A = arith.constant 0.000000e+00 : f32
    %max3A_22 = vector.broadcast %max3A : f32 to vector<2528x32xf32>
    %max3A_23 = arith.maximumf %add3A_21, %max3A_22 : vector<2528x32xf32>
    %get3A_24 = arith.constant 0 : index
    %get3A_25 = arith.constant 0 : index
    %get3A_26 = vector.load %arg5[%get3A_24, %get3A_25] : memref<32x32xf32, #tpu.memory_space<vmem>>, vector<32x32xf32>
    %dot_general3A = arith.constant dense<0.000000e+00> : vector<2528x32xf32>
    %dot_general3A_27 = tpu.matmul %max3A_23, %get3A_26, %dot_general3A {dimension_numbers = #tpu.dot_dimension_numbers<[1], [0], [0], [1], [0, 0, 1, 1], [], []>, transpose_lhs_hint = false} : vector<2528x32xf32>, vector<32x32xf32>, vector<2528x32xf32> -> vector<2528x32xf32>
    %get3A_28 = arith.constant 0 : index
    %get3A_29 = arith.constant 0 : index
    %get3A_30 = vector.load %arg6[%get3A_28, %get3A_29] : memref<1x32xf32, #tpu.memory_space<vmem>>, vector<1x32xf32>
    %add3A_31 = vector.broadcast %get3A_30 : vector<1x32xf32> to vector<2528x32xf32>
    %add3A_32 = arith.addf %dot_general3A_27, %add3A_31 : vector<2528x32xf32>
    %max3A_33 = arith.constant 0.000000e+00 : f32
    %max3A_34 = vector.broadcast %max3A_33 : f32 to vector<2528x32xf32>
    %max3A_35 = arith.maximumf %add3A_32, %max3A_34 : vector<2528x32xf32>
    %get3A_36 = arith.constant 0 : index
    %get3A_37 = arith.constant 0 : index
    %get3A_38 = vector.load %arg7[%get3A_36, %get3A_37] : memref<32x1xf32, #tpu.memory_space<vmem>>, vector<32x1xf32>
    %dot_general3A_39 = arith.constant dense<0.000000e+00> : vector<2528x1xf32>
    %dot_general3A_40 = tpu.matmul %max3A_35, %get3A_38, %dot_general3A_39 {dimension_numbers = #tpu.dot_dimension_numbers<[1], [0], [0], [1], [0, 0, 1, 1], [], []>, transpose_lhs_hint = false} : vector<2528x32xf32>, vector<32x1xf32>, vector<2528x1xf32> -> vector<2528x1xf32>
    %get3A_41 = arith.constant 0 : index
    %get3A_42 = arith.constant 0 : index
    %get3A_43 = vector.load %arg8[%get3A_41, %get3A_42] : memref<1x1xf32, #tpu.memory_space<vmem>>, vector<1x1xf32>
    %add3A_44 = vector.broadcast %get3A_43 : vector<1x1xf32> to vector<2528x1xf32>
    %add3A_45 = arith.addf %dot_general3A_40, %add3A_44 : vector<2528x1xf32>
    %swap3A = arith.constant 0 : index
    %swap3A_46 = arith.constant 0 : index
    %swap3A_47 = vector.load %arg9[%swap3A, %swap3A_46] : memref<2528x1xf32, #tpu.memory_space<vmem>>, vector<2528x1xf32>
    tpu.vector_store %arg9[%swap3A, %swap3A_46], %add3A_45 {strides = array<i32>} : memref<2528x1xf32, #tpu.memory_space<vmem>>, vector<2528x1xf32>,
    return
  }
  func.func @transform_0(%arg0: i32) -> (i32, i32, i32) {
    %c0_i32 = arith.constant 0 : i32
    %c0_i32_0 = arith.constant 0 : i32
    %c0_i32_1 = arith.constant 0 : i32
    return %c0_i32, %arg0, %c0_i32_0 : i32, i32, i32
  }
  func.func @transform_1(%arg0: i32) -> (i32, i32) {
    %c0_i32 = arith.constant 0 : i32
    %c0_i32_0 = arith.constant 0 : i32
    return %arg0, %c0_i32 : i32, i32
  }
  func.func @transform_2(%arg0: i32) -> (i32, i32) {
    %c0_i32 = arith.constant 0 : i32
    %c0_i32_0 = arith.constant 0 : i32
    return %arg0, %c0_i32 : i32, i32
  }
  func.func @transform_3(%arg0: i32) -> (i32, i32) {
    %c0_i32 = arith.constant 0 : i32
    %c0_i32_0 = arith.constant 0 : i32
    %c0_i32_1 = arith.constant 0 : i32
    return %c0_i32, %c0_i32_0 : i32, i32
  }
  func.func @transform_4(%arg0: i32) -> (i32, i32) {
    %c0_i32 = arith.constant 0 : i32
    %c0_i32_0 = arith.constant 0 : i32
    %c0_i32_1 = arith.constant 0 : i32
    return %c0_i32, %c0_i32_0 : i32, i32
  }
  func.func @transform_5(%arg0: i32) -> (i32, i32) {
    %c0_i32 = arith.constant 0 : i32
    %c0_i32_0 = arith.constant 0 : i32
    %c0_i32_1 = arith.constant 0 : i32
    return %c0_i32, %c0_i32_0 : i32, i32
  }
  func.func @transform_6(%arg0: i32) -> (i32, i32) {
    %c0_i32 = arith.constant 0 : i32
    %c0_i32_0 = arith.constant 0 : i32
    %c0_i32_1 = arith.constant 0 : i32
    return %c0_i32, %c0_i32_0 : i32, i32
  }
  func.func @transform_7(%arg0: i32) -> (i32, i32) {
    %c0_i32 = arith.constant 0 : i32
    %c0_i32_0 = arith.constant 0 : i32
    %c0_i32_1 = arith.constant 0 : i32
    return %c0_i32, %c0_i32_0 : i32, i32
  }
  func.func @transform_8(%arg0: i32) -> (i32, i32) {
    %c0_i32 = arith.constant 0 : i32
    %c0_i32_0 = arith.constant 0 : i32
    return %arg0, %c0_i32 : i32, i32
  }
}

</mosaic_0001>

<sc_bundles>
// kernel: kernel.11.cloned.1.call-start
scs
__scs_entry_jumppad:
0x0: {  	(pc) =	sbr.rel $0x88, $3  }
0x1: {  	(tag) =	ssettag $0x0;
	lr =	simm.s32 $0x1  }
0x2: {  	[smem:$0x3F97] =	sst lr;
	_ =	strace $0xD0000000  }
0x3: {  	_ = 	snop  }
0x4: {  	_ = 	snop  }
0x5: {  	_ = 	snop  }
0x6: {  	_ = 	snop  }
0x7: {  	_ = 	snop  }
__scs_overlays_trampoline_lowered:
0x8: {  	[smem:$0x3FA6] =	sst s0  }
0x9: {  	[smem:$0x3FA7] =	sst s1  }
0xa: {  	[smem:$0x3FA8] =	sst s2  }
0xb: {  	[smem:$0x3FA9] =	sst s3  }
0xc: {  	[smem:$0x3FAA] =	sst s4  }
0xd: {  	[smem:$0x3FAB] =	sst s5  }
0xe: {  	[smem:$0x3FAC] =	sst s6  }
0xf: {  	[smem:$0x3FAD] =	sst s7  }
0x10: {  	[smem:$0x3FAE] =	sst s8  }
0x11: {  	[smem:$0x3FAF] =	sst s9;
	s0 =	simm.s32 @!p0 $0x0  }
0x12: {  	s1 =	sld [smem:$0x3F95];
	s0 =	simm.s32 @p0 $0x1  }
0x13: {  	[smem:$0x3FB0] =	sst s0;
	s0 =	simm.s32 @!p1 $0x0  }
0x14: {  	s2 =	sld [smem:$0x3F94];
	s0 =	simm.s32 @p1 $0x1  }
0x15: {  	[smem:$0x3FB1] =	sst s0;
	s0 =	simm.s32 @!p2 $0x0  }
0x16: {  	s3 =	sld [smem:$0x3FDB];
	s0 =	simm.s32 @p2 $0x1  }
0x17: {  	s4 =	simm.s32 $0x1BF5;
	[smem:$0x3FB3] =	sst s0  }
0x18: {  	s0 =	sld [smem:$0x3F96];
	_ =	swait.ge [sflag:s4], $0x0  }
0x19: {  	s7 =	sld [smem:$0x3F97]  }
0x1a: {  	s8 =	sadd.s32 $0xFFFFE003, lr  }
0x1b: {  	s9 =	sadd.s32 $0xFFFFFEF7, lr;
	s5 =	simm.s32 $0xFFFFFFFF;
	p2 =	slt.u32 s8, $0xFFFFF086  }
0x1c: {  	p1 =	slt.u32 s9, $0xF7A;
	s5 =	simm.s32 @!p2 $0x0  }
0x1d: {  	s5 =	simm.s32 @p1 $0x1;
	p0 =	seq.s32 s7, s2  }
0x1e: {  	s7 =	smul.u32 @!p0 $0xF7A, s2;
	p2 =	seq.s32 @!p0 s5, $0x0  }
0x1f: {  	s9 =	smul.u32 $0xF7A, s1;
	s8 =	simm.s32 @!p0 $0x1BF5;
	p2 =	por !p2, p0  }
0x20: {  	[sflag:s8] =	ssyncset.s32 @!p0 $0xFFFFF086;
	s6 =	sadd.s32 @!p0 s3, s7;
	s7 =	simm.s32 @!p0 $0x108  }
0x21: {  	s3 =	sadd.s32 s3, s9;
	s6 =	sadd.s32 @!p0 $0x88, s6;
	s7 =	simm.s32 @p2 $0x1082  }
0x22: {  	[simem:s7], [sflag:s8] =	dma.local @!p0 [hbm:s6], $0xF7A  }
0x23: {  	s9 =	sor.u32 $0xD0000000, s2;
	s6 =	simm.s32 $0x108;
	_ =	swait.ge @!p0 [sflag:s8], $0x0  }
0x24: {  	s3 =	sadd.s32 $0x88, s3;
	s6 =	simm.s32 @!p1 $0x1082;
	[sflag:s4] =	ssyncset.s32 $0xFFFFF086  }
0x25: {  	[simem:s6], [sflag:s4] =	dma.local [hbm:s3], $0xF7A  }
0x26: {  	[smem:$0x3F97] =	sst s1;
	(tag) =	ssettag s2;
	_ =	strace s9  }
0x27: {  	s1 =	sld [smem:$0x3FA7]  }
0x28: {  	s2 =	sld [smem:$0x3FA8]  }
0x29: {  	s4 =	sld [smem:$0x3FAA]  }
0x2a: {  	p0 =	seq.s32 s5, $0x0;
	s5 =	sld [smem:$0x3FAB]  }
0x2b: {  	s6 =	sld [smem:$0x3FAC]  }
0x2c: {  	s7 =	sld [smem:$0x3FAD]  }
0x2d: {  	s3 =	simm.s32 $0x108;
	s8 =	sld [smem:$0x3FAE]  }
0x2e: {  	s3 =	simm.s32 @!p0 $0x1082;
	s9 =	sld [smem:$0x3FAF]  }
0x2f: {  	lr =	sadd.s32 s0, s3;
	s0 =	sld [smem:$0x3FA6]  }
0x30: {  	s3 =	sld [smem:$0x3FA9]  }
0x31: {  	[smem:$0x3FB2] =	sst s10  }
0x32: {  	s10 =	sld [smem:$0x3FB0];
	_ =	sdelay $0x3  }
0x33: {  	p0 =	seq.s32 s10, $0x1;
	s10 =	sld [smem:$0x3FB2];
	_ =	sdelay $0x3  }
0x34: {  	[smem:$0x3FB2] =	sst s10  }
0x35: {  	s10 =	sld [smem:$0x3FB1];
	_ =	sdelay $0x3  }
0x36: {  	p1 =	seq.s32 s10, $0x1;
	s10 =	sld [smem:$0x3FB2];
	_ =	sdelay $0x3  }
0x37: {  	[smem:$0x3FB2] =	sst s10  }
0x38: {  	s10 =	sld [smem:$0x3FB3]  }
0x39: {  	_ = 	snop;
	(pc) =	sbr.ind lr, $3  }
0x3a: {  	_ = 	snop  }
0x3b: {  	_ = 	snop  }
0x3c: {  	p2 =	seq.s32 s10, $0x1;
	s10 =	sld [smem:$0x3FB2]  }
0x3d: {  	_ =	shalt  }
0x3e: {  	_ =	shalt  }
0x3f: {  	_ =	shalt  }
0x40: {  	_ =	shalt  }
0x41: {  	_ =	shalt  }
0x42: {  	_ =	shalt  }
0x43: {  	_ =	shalt  }
0x44: {  	_ =	shalt  }
0x45: {  	_ =	shalt  }
0x46: {  	_ =	shalt  }
0x47: {  	_ =	shalt  }
0x48: {  	_ =	shalt  }
0x49: {  	_ =	shalt  }
0x4a: {  	_ =	shalt  }
0x4b: {  	_ =	shalt  }
0x4c: {  	_ =	shalt  }
0x4d: {  	_ =	shalt  }
0x4e: {  	_ =	shalt  }
0x4f: {  	_ =	shalt  }
0x50: {  	_ =	shalt  }
0x51: {  	_ =	shalt  }
0x52: {  	_ =	shalt  }
0x53: {  	_ =	shalt  }
0x54: {  	_ =	shalt  }
0x55: {  	_ =	shalt  }
0x56: {  	_ =	shalt  }
0x57: {  	_ =	shalt  }
0x58: {  	_ =	shalt  }
0x59: {  	_ =	shalt  }
0x5a: {  	_ =	shalt  }
0x5b: {  	_ =	shalt  }
0x5c: {  	_ =	shalt  }
0x5d: {  	_ =	shalt  }
0x5e: {  	_ =	shalt  }
0x5f: {  	_ =	shalt  }
0x60: {  	_ =	shalt  }
0x61: {  	_ =	shalt  }
0x62: {  	_ =	shalt  }
0x63: {  	_ =	shalt  }
0x64: {  	_ =	shalt  }
0x65: {  	_ =	shalt  }
0x66: {  	_ =	shalt  }
0x67: {  	_ =	shalt  }
0x68: {  	_ =	shalt  }
0x69: {  	_ =	shalt  }
0x6a: {  	_ =	shalt  }
0x6b: {  	_ =	shalt  }
0x6c: {  	_ =	shalt  }
0x6d: {  	_ =	shalt  }
0x6e: {  	_ =	shalt  }
0x6f: {  	_ =	shalt  }
0x70: {  	_ =	shalt  }
0x71: {  	_ =	shalt  }
0x72: {  	_ =	shalt  }
0x73: {  	_ =	shalt  }
0x74: {  	_ =	shalt  }
0x75: {  	_ =	shalt  }
0x76: {  	_ =	shalt  }
0x77: {  	_ =	shalt  }
0x78: {  	_ =	shalt  }
0x79: {  	_ =	shalt  }
0x7a: {  	_ =	shalt  }
0x7b: {  	_ =	shalt  }
0x7c: {  	_ =	shalt  }
0x7d: {  	_ =	shalt  }
0x7e: {  	_ =	shalt  }
0x7f: {  	_ =	shalt  }
0x80: {  	_ =	shalt  }
0x81: {  	_ =	shalt  }
0x82: {  	_ =	shalt  }
0x83: {  	_ =	shalt  }
0x84: {  	_ =	shalt  }
0x85: {  	_ =	shalt  }
0x86: {  	_ =	shalt  }
0x87: {  	_ =	shalt  }
.Lfunc_end0:
.L_simem_size_0:
called_computation.1_lowered:
.L_overlay_start_0:
0x88: {  	s2 =	sld [smem:$0x3FD9]  }
0x89: {  	s3 =	sld [smem:$0x3FFE];
	_ =	sdelay $0x1  }
0x8a: {  	s1 =	srdreg.scid  }
0x8b: {  	s0 =	sand.u32 $0x1, s1  }
0x8c: {  	s16 =	sshll.u32 s0, $0xA;
	s2 =	sadd.s32 s3, s2  }
0x8d: {  	s2 =	sadd.s32 s2, s16  }
0x8e: {  	[smem:$0x3FBE] =	sst s2  }
0x8f: {  	_ = 	snop  }
0x90: {  	(tm) =	ssettm $0x1  }
0x91: {  	s17 =	sld [smem:$0x3FFB];
	_ =	sdelay $0x3  }
0x92: {  	_ =	strace s17  }
0x93: {  	s2 =	sld [smem:$0x3FFC];
	_ =	sdelay $0x3  }
0x94: {  	_ =	strace s2  }
0x95: {  	s2 =	sld [smem:$0x3FFD];
	_ =	sdelay $0x3  }
0x96: {  	_ =	strace s2  }
0x97: {  	_ =	strace $0x8FFFFFFF  }
0x98: {  	s18 =	sld [smem:$0x3FDB];
	_ =	sdelay $0x1  }
0x99: {  	s19 =	simm.s32 $_scs_section_size  }
0x9a: {  	s4 =	simm.s32 $_size__tile_overlayer_lowered;
	s5 =	simm.s32 $_tile_overlayer_lowered  }
0x9b: {  	s22 =	simm.s32 $0x1BFF;
	s21 =	sshll.u32 s5, $0x1;
	s2 =	sadd.s32 s19, s18  }
0x9c: {  	s6 =	simm.s32 $0x0;
	s20 =	sshll.u32 s4, $0x1;
	s4 =	sadd.s32 s21, s2  }
0x9d: {  	[timem:s6], [sflag:s22] =	dma.local [hbm:s4], s20  }
0x9e: {  	_ =	swait.ge [sflag:s22], s20  }
0x9f: {  	s3 =	ssub.s32 $0x0, s20;
	[sflag:s22] =	ssyncset.done $0x0  }
0xa0: {  	[sflag:s22] =	ssyncadd.s32 s3;
	_ =	sdelay $0x1  }
0xa1: {  	s23 =	simm.s32 $0x1B8B  }
0xa2: {  	_ =	swait.ge [sflag:s23], $0x1  }
0xa3: {  	[sflag:s23] =	ssyncset.done $0x0  }
0xa4: {  	s25 =	simm.s32 $0x1B8E;
	s24 =	sld [smem:$0x3FFE];
	[sflag:s23] =	ssyncadd.s32 $0xFFFFFFFF  }
0xa5: {  	s26 =	simm.s32 $execute0_lowered;
	[smem:$0x3FD2] =	sst s25  }
0xa6: {  	s4 =	sshll.u32 s26, $0x1;
	_ =	strace $0x80000049;
	[dreg:$0x1] =	wrdreg $0xFFFFFFFF  }
0xa7: {  	s28 =	simm.s32 $_size_execute0_lowered;
	s2 =	sadd.s32 s2, s4;
	[dreg:$0x0] =	wrdreg $0x0  }
0xa8: {  	s4 =	sshll.u32 s28, $0x1;
	[dreg:$0x2] =	wrdreg s2  }
0xa9: {  	[dreg:$0x3] =	wrdreg s4  }
0xaa: {  	[dreg:$0x4] =	wrdreg $0xC0  }
0xab: {  	_ =	task [dreg:s6], $0x5FFFF  }
0xac: {  	[dreg:$0x1] =	wrdreg $0xFFFFFFFF  }
0xad: {  	[dreg:$0x0] =	wrdreg $0x60  }
0xae: {  	[dreg:$0x2] =	wrdreg s24  }
0xaf: {  	[dreg:$0x3] =	wrdreg $0x70000  }
0xb0: {  	[dreg:$0x4] =	wrdreg $0x9  }
0xb1: {  	_ =	task.clear_ibuf [dreg:s6], $0x5FFFF;
	_ =	strace $0x90000049  }
0xb2: {  	s29 =	simm.s32 $0x9;
	_ =	strace $0x8000004B  }
0xb3: {  	_ =	swait.ge [sflag:s29], $0x1  }
0xb4: {  	[sflag:s29] =	ssyncadd.s32 $0xFFFFFFFF  }
0xb5: {  	_ =	strace $0x9000004B  }
0xb6: {  	_ =	sfence  }
0xb7: {  	s30 =	sld [smem:$0x0];
	_ =	sdelay $0x2  }
0xb8: {  	s31 =	sshll.u32 s1, $0xD;
	s1 =	sshrl.u32 s1, $0x2  }
0xb9: {  	s3 =	sand.u32 $0x4000, s31;
	s1 =	sadd.s32 s1, s30  }
0xba: {  	s0 =	sor.u32 s3, s0;
	s1 =	sshll.u32 s1, $0x11  }
0xbb: {  	s0 =	sor.u32 s1, s0  }
0xbc: {  	s0 =	sadd.s32 $0x8F2B, s0  }
0xbd: {  	[sflag:s0] =	ssyncadd.remote.s32 $0x1  }
0xbe: {  	_ =	sfence.sel $0xFFFF  }
0xbf: {  	[dreg:$0x0] =	wrdreg $0xFFFFFFFF;
	(pc) =	sbr.abs _section_cstart, $3  }
0xc0: {  	[dreg:$0x1] =	wrdreg $0xFFFFFFFF  }
0xc1: {  	_ =	task.clear_ibuf [dreg:s6], $0x2FFFF;
	_ =	strace $0x9FFFFFFF  }
0xc2: {  	(tm) =	ssettm $0x7FFFFFFF  }
0xc3: {  	_ =	shalt  }
tec
execute0_lowered:
.L_overlay_start_1:
0x0: {  	(tag) =	ssettag $0x1  }
0x1: {  	s0 =	srdreg.scid;
	s6 =	rddreg [dreg:$0x0]  }
0x2: {  	s2 =	rddreg [dreg:$0x1];
	s3 =	simm.s32 $0x0;
	s13 =	simm.s32 $0x1  }
0x3: {  	s14 =	simm.s32 $0x2;
	s15 =	simm.s32 $0x3;
	s16 =	simm.s32 $0x80  }
0x4: {  	s17 =	simm.s32 $0x5000;
	s18 =	simm.s32 $0x6000;
	s19 =	simm.s32 $0x4  }
0x5: {  	s20 =	simm.s32 $0x2780;
	s21 =	simm.s32 $0x4F00;
	s22 =	simm.s32 $0x4F80  }
0x6: {  	s24 =	simm.s32 $0x5;
	s5 =	sand.u32 $0x1, s0;
	s0 =	stileid.u32  }
0x7: {  	s25 =	simm.s32 $0x0;
	[smem:$0x7FF] =	sst s3;
	s8 =	smul.u32 $0x4F00, s0  }
0x8: {  	s4 =	sadd.s32 $0x1D600, s6;
	s1 =	sshll.u32 s5, $0x4;
	s9 =	smul.u32 $0x4F000, s5  }
0x9: {  	s5 =	ssub.s32 $0x2, s5;
	s23 =	sshll.u32 s0, $0x6;
	s1 =	sor.u32 s0, s1  }
0xa: {  	s31 =	sshrl.u32 s5, $0x1;
	s7 =	smul.u32 $0x500, s1;
	s1 =	rddreg [dreg:$0x2]  }
0xb: {  	_ =	strace $0x8000004A;
	s9 =	sadd.s32 s8, s9;
	s10 =	sshrl.u32 s8, $0x3  }
0xc: {  	s11 =	ssub.s32 s5, s31;
	s12 =	sadd.s32 s8, s2;
	s8 =	sor.u32 $0x1C03, s23  }
0xd: {  	s23 =	sor.u32 $0x1C05, s23;
	s9 =	sshrl.u32 s9, $0x3;
	s10 =	sadd.s32 s10, s6  }
0xe: {  	s12 =	sshrl.u32 s12, $0x3;
	s7 =	sadd.s32 s7, s6;
	s9 =	sadd.s32 s9, s6  }
0xf: {  	s5 =	sadd.s32 $0x13600, s7;
	s6 =	sadd.s32 $0x1E00, s7;
	s7 =	sadd.s32 $0x27400, s10  }
0x10: {  	s9 =	sadd.s32 $0x31200, s9;
	s10 =	smax.u32 s11, $0x1;
	s11 =	simm.s32 $0x2800  }
.LBB2_1:
0x11: {  	[tilespmem:s3], [sflag:$0x1] =	stream.linear.gather [hbm4b:s5+s3], $0x2800, $0x38;
	[tilespmem:$0xBF00] =	vst v63  }
0x12: {  	_ = 	snop  }
0x13: {  	[tilespmem:s11], [sflag:$0x2] =	stream.linear.gather [hbm4b:s6+s3], $0x2800, $0x38;
	[tilespmem:$0xBF00] =	vst v63  }
0x14: {  	[spmem:s12], [sflag:s8] =	dma.local [hbm:s7], $0x9E0  }
0x15: {  	_ =	swait.ge [sflag:s13], $0x2800  }
0x16: {  	[sflag:s13] =	ssyncset.done $0x0  }
0x17: {  	[sflag:s13] =	ssyncadd.s32 $0xFFFFD800  }
0x18: {  	_ =	swait.ge [sflag:s14], $0x2800  }
0x19: {  	[sflag:s14] =	ssyncset.done $0x0  }
0x1a: {  	[sflag:s14] =	ssyncadd.s32 $0xFFFFD800  }
0x1b: {  	_ =	swait.ge [sflag:s15], $0x9E0  }
0x1c: {  	[sflag:s15] =	ssyncset.done $0x0  }
0x1d: {  	[sflag:s15] =	ssyncadd.s32 $0xFFFFF620  }
0x1e: {  	[bflag:$0x0] =	sbarrier.arrive $0xFFFF  }
0x1f: {  	[tilespmem:s17], [sflag:$0x1] =	stream.indirect.gather [hbm4b:s4+s16], $0x20, s3, s16, $0xb8;
	[tilespmem:$0xBF00] =	vst v63  }
0x20: {  	s26 =	simm.s32 $0x80  }
0x21: {  	[tilespmem:s18], [sflag:$0x2] =	stream.indirect.gather [hbm4b:s4+s16], $0x20, s26, s16, $0xb8;
	[tilespmem:$0xBF00] =	vst v63  }
0x22: {  	_ =	swait.ge [sflag:s13], $0x1000  }
0x23: {  	[sflag:s13] =	ssyncset.done $0x0  }
0x24: {  	s29 =	simm.s32 $0x2800;
	[sflag:s13] =	ssyncadd.s32 $0xFFFFF000  }
0x25: {  	[spmem:s2] =	stream.indirect.scatter.add.f32 [tilespmem:s17], [sflag:$0x3], $0x20, s29, s16, $0xb8;
	[tilespmem:$0xBF00] =	vst v63  }
0x26: {  	_ =	swait.ge [sflag:s14], $0x1000  }
0x27: {  	[sflag:s14] =	ssyncset.done $0x0  }
0x28: {  	s30 =	simm.s32 $0x2880;
	[sflag:s14] =	ssyncadd.s32 $0xFFFFF000  }
0x29: {  	[spmem:s2] =	stream.indirect.scatter.add.f32 [tilespmem:s18], [sflag:$0x4], $0x20, s30, s16, $0xb8;
	[tilespmem:$0xBF00] =	vst v63  }
0x2a: {  	_ =	swait.ge [sflag:s15], $0x1000  }
0x2b: {  	[sflag:s15] =	ssyncset.done $0x0  }
0x2c: {  	s31 =	simm.s32 $0x100;
	[sflag:s15] =	ssyncadd.s32 $0xFFFFF000  }
0x2d: {  	[tilespmem:s17], [sflag:$0x1] =	stream.indirect.gather [hbm4b:s4+s16], $0x20, s31, s16, $0xb8;
	[tilespmem:$0xBF00] =	vst v63  }
0x2e: {  	_ =	swait.ge [sflag:s19], $0x1000  }
0x2f: {  	s28 =	simm.s32 $0x800;
	s26 =	simm.s32 $0x100;
	[sflag:s19] =	ssyncset.done $0x0  }
.LBB2_2:
0x30: {  	s29 =	sadd.s32 $0x80, s26  }
0x31: {  	[sflag:s19] =	ssyncadd.s32 $0xFFFFF000;
	s30 =	smov.u32 s28;
	s31 =	sadd.s32 $0x400, s28  }
0x32: {  	[tilespmem:s18], [sflag:$0x2] =	stream.indirect.gather [hbm4b:s4+s16], $0x20, s29, s16, $0xb8;
	[tilespmem:$0xBF00] =	vst v63  }
0x33: {  	p0 =	sne.s32 s28, $0x9800;
	_ =	swait.ge [sflag:s13], $0x1000  }
0x34: {  	[sflag:s13] =	ssyncset.done $0x0  }
0x35: {  	s28 =	sadd.s32 $0x2800, s26;
	[sflag:s13] =	ssyncadd.s32 $0xFFFFF000  }
0x36: {  	[spmem:s2] =	stream.indirect.scatter.add.f32 [tilespmem:s17], [sflag:$0x3], $0x20, s28, s16, $0xb8;
	[tilespmem:$0xBF00] =	vst v63  }
0x37: {  	_ =	swait.ge [sflag:s14], $0x1000  }
0x38: {  	[sflag:s14] =	ssyncset.done $0x0  }
0x39: {  	s28 =	sadd.s32 $0x2880, s26;
	[sflag:s14] =	ssyncadd.s32 $0xFFFFF000  }
0x3a: {  	[spmem:s2] =	stream.indirect.scatter.add.f32 [tilespmem:s18], [sflag:$0x4], $0x20, s28, s16, $0xb8;
	[tilespmem:$0xBF00] =	vst v63  }
0x3b: {  	_ =	swait.ge [sflag:s15], $0x1000  }
.Ltmp0:
0x3c: {  	[sflag:s15] =	ssyncset.done $0x0;
	(pc) =	sbr.rel @p0 .LBB2_2-.Ltmp0, $4  }
0x3d: {  	s26 =	sadd.s32 $0x100, s26;
	[sflag:s15] =	ssyncadd.s32 $0xFFFFF000  }
0x3e: {  	[tilespmem:s17], [sflag:$0x1] =	stream.indirect.gather [hbm4b:s4+s16], $0x20, s26, s16, $0xb8;
	[tilespmem:$0xBF00] =	vst v63  }
0x3f: {  	_ =	swait.ge [sflag:s19], $0x1000  }
0x40: {  	s28 =	smov.u32 s31;
	s26 =	sshra.s32 s30, $0x2;
	[sflag:s19] =	ssyncset.done $0x0  }
0x41: {  	s28 =	sadd.s32 $0x80, s26;
	[sflag:s19] =	ssyncadd.s32 $0xFFFFF000  }
0x42: {  	[tilespmem:s18], [sflag:$0x2] =	stream.indirect.gather [hbm4b:s4+s16], $0x20, s28, s16, $0xb8;
	[tilespmem:$0xBF00] =	vst v63  }
0x43: {  	_ =	swait.ge [sflag:s13], $0x1000  }
0x44: {  	[sflag:s13] =	ssyncset.done $0x0  }
0x45: {  	s29 =	sadd.s32 $0x2800, s26;
	[sflag:s13] =	ssyncadd.s32 $0xFFFFF000  }
0x46: {  	[spmem:s2] =	stream.indirect.scatter.add.f32 [tilespmem:s17], [sflag:$0x3], $0x20, s29, s16, $0xb8;
	[tilespmem:$0xBF00] =	vst v63  }
0x47: {  	_ =	swait.ge [sflag:s14], $0x1000  }
0x48: {  	[sflag:s14] =	ssyncset.done $0x0  }
0x49: {  	s30 =	sadd.s32 $0x2880, s26;
	[sflag:s14] =	ssyncadd.s32 $0xFFFFF000  }
0x4a: {  	[spmem:s2] =	stream.indirect.scatter.add.f32 [tilespmem:s18], [sflag:$0x4], $0x20, s30, s16, $0xb8;
	[tilespmem:$0xBF00] =	vst v63  }
0x4b: {  	_ =	swait.ge [sflag:s15], $0x1000  }
0x4c: {  	[sflag:s15] =	ssyncset.done $0x0  }
0x4d: {  	s31 =	sadd.s32 $0x100, s26;
	[sflag:s15] =	ssyncadd.s32 $0xFFFFF000  }
0x4e: {  	[tilespmem:s17], [sflag:$0x1] =	stream.indirect.gather [hbm4b:s4+s16], $0x20, s31, s16, $0xb8;
	[tilespmem:$0xBF00] =	vst v63  }
0x4f: {  	_ =	swait.ge [sflag:s19], $0x1000  }
0x50: {  	[sflag:s19] =	ssyncset.done $0x0  }
0x51: {  	[sflag:s19] =	ssyncadd.s32 $0xFFFFF000  }
0x52: {  	[tilespmem:s18], [sflag:$0x2] =	stream.indirect.gather [hbm4b:s4+s16], $0x20, s20, s16, $0xb8;
	[tilespmem:$0xBF00] =	vst v63  }
0x53: {  	_ =	swait.ge [sflag:s13], $0x1000  }
0x54: {  	[sflag:s13] =	ssyncset.done $0x0  }
0x55: {  	[sflag:s13] =	ssyncadd.s32 $0xFFFFF000  }
0x56: {  	[spmem:s2] =	stream.indirect.scatter.add.f32 [tilespmem:s17], [sflag:$0x3], $0x20, s21, s16, $0xb8;
	[tilespmem:$0xBF00] =	vst v63  }
0x57: {  	_ =	swait.ge [sflag:s14], $0x1000  }
0x58: {  	[sflag:s14] =	ssyncset.done $0x0  }
0x59: {  	[sflag:s14] =	ssyncadd.s32 $0xFFFFF000  }
0x5a: {  	[spmem:s2] =	stream.indirect.scatter.add.f32 [tilespmem:s18], [sflag:$0x4], $0x20, s22, s16, $0xb8;
	[tilespmem:$0xBF00] =	vst v63  }
0x5b: {  	_ =	swait.ge [sflag:s15], $0x1000  }
0x5c: {  	[sflag:s15] =	ssyncset.done $0x0  }
0x5d: {  	[sflag:s15] =	ssyncadd.s32 $0xFFFFF000  }
0x5e: {  	_ =	swait.ge [sflag:s19], $0x1000  }
0x5f: {  	s25 =	sadd.s32 $0x1, s25;
	[sflag:s19] =	ssyncset.done $0x0  }
0x60: {  	p0 =	sne.s32 s25, s10;
	[sflag:s19] =	ssyncadd.s32 $0xFFFFF000  }
.Ltmp1:
0x61: {  	[bflag:$0x0] =	sbarrier.arrive $0xFFFF;
	(pc) =	sbr.rel @p0 .LBB2_1-.Ltmp1, $4  }
0x62: {  	[hbm:s9], [sflag:s23] =	dma.local [spmem:s12], $0x9E0  }
0x63: {  	_ =	swait.ge [sflag:s24], $0x9E0  }
0x64: {  	[sflag:s24] =	ssyncset.done $0x0  }
0x65: {  	[sflag:s24] =	ssyncadd.s32 $0xFFFFF620  }
0x66: {  	_ =	sfence.sel $0x180000  }
0x67: {  	[bflag:$0x0] =	sbarrier.arrive $0xFFFF  }
0x68: {  	p0 =	sne.s32 s0, $0x0;
	_ =	strace $0x9000004A  }
0x69: {  	s0 =	sadd.s32 @!p0 $0x100000, s1;
	[bflag:$0x2] =	sbarrier.arrive $0xFFFF  }
0x6a: {  	[sflag:s0] =	ssyncadd.tile.s32 @!p0 $0x1;
	_ =	shalt  }
.Lfunc_end2:
_tile_overlayer_lowered:
.L_overlay_start_2:
0x6b: {  	(tag) =	ssettag $0x2  }
0x6c: {  	s0 =	rddreg [dreg:$0x0];
	s2 =	stileid.u32  }
0x6d: {  	s1 =	rddreg [dreg:$0x1];
	p0 =	sne.s32 s2, $0x0  }
0x6e: {  	s3 =	rddreg [dreg:$0x2];
	[bflag:$0x3] =	sbarrier.arrive $0xFFFF;
	s2 =	simm.s32 @!p0 $0x1C05  }
0x6f: {  	[timem:s3], [sflag:s2] =	dma.local @!p0 [hbm:s0], s1  }
0x70: {  	s0 =	simm.s32 @!p0 $0x5  }
0x71: {  	_ =	swait.ge @!p0 [sflag:s0], s1  }
0x72: {  	s1 =	ssub.s32 @!p0 $0x0, s1;
	[sflag:s0] =	ssyncset.done @!p0 $0x0  }
0x73: {  	[sflag:s0] =	ssyncadd.s32 @!p0 s1  }
0x74: {  	[bflag:$0x3] =	sbarrier.arrive $0xFFFF  }
0x75: {  	_ =	shalt  }

// kernel: kernel.14.cloned.1.call-start
scs
__scs_entry_jumppad:
0x0: {  	(pc) =	sbr.rel $0x88, $3  }
0x1: {  	(tag) =	ssettag $0x0;
	lr =	simm.s32 $0x1  }
0x2: {  	[smem:$0x3F97] =	sst lr;
	_ =	strace $0xD0000000  }
0x3: {  	_ = 	snop  }
0x4: {  	_ = 	snop  }
0x5: {  	_ = 	snop  }
0x6: {  	_ = 	snop  }
0x7: {  	_ = 	snop  }
__scs_overlays_trampoline_lowered:
0x8: {  	[smem:$0x3FA6] =	sst s0  }
0x9: {  	[smem:$0x3FA7] =	sst s1  }
0xa: {  	[smem:$0x3FA8] =	sst s2  }
0xb: {  	[smem:$0x3FA9] =	sst s3  }
0xc: {  	[smem:$0x3FAA] =	sst s4  }
0xd: {  	[smem:$0x3FAB] =	sst s5  }
0xe: {  	[smem:$0x3FAC] =	sst s6  }
0xf: {  	[smem:$0x3FAD] =	sst s7  }
0x10: {  	[smem:$0x3FAE] =	sst s8  }
0x11: {  	[smem:$0x3FAF] =	sst s9;
	s0 =	simm.s32 @!p0 $0x0  }
0x12: {  	s1 =	sld [smem:$0x3F95];
	s0 =	simm.s32 @p0 $0x1  }
0x13: {  	[smem:$0x3FB0] =	sst s0;
	s0 =	simm.s32 @!p1 $0x0  }
0x14: {  	s2 =	sld [smem:$0x3F94];
	s0 =	simm.s32 @p1 $0x1  }
0x15: {  	[smem:$0x3FB1] =	sst s0;
	s0 =	simm.s32 @!p2 $0x0  }
0x16: {  	s3 =	sld [smem:$0x3FDB];
	s0 =	simm.s32 @p2 $0x1  }
0x17: {  	s4 =	simm.s32 $0x1BF5;
	[smem:$0x3FB3] =	sst s0  }
0x18: {  	s0 =	sld [smem:$0x3F96];
	_ =	swait.ge [sflag:s4], $0x0  }
0x19: {  	s7 =	sld [smem:$0x3F97]  }
0x1a: {  	s8 =	sadd.s32 $0xFFFFE003, lr  }
0x1b: {  	s9 =	sadd.s32 $0xFFFFFEF7, lr;
	s5 =	simm.s32 $0xFFFFFFFF;
	p2 =	slt.u32 s8, $0xFFFFF086  }
0x1c: {  	p1 =	slt.u32 s9, $0xF7A;
	s5 =	simm.s32 @!p2 $0x0  }
0x1d: {  	s5 =	simm.s32 @p1 $0x1;
	p0 =	seq.s32 s7, s2  }
0x1e: {  	s7 =	smul.u32 @!p0 $0xF7A, s2;
	p2 =	seq.s32 @!p0 s5, $0x0  }
0x1f: {  	s9 =	smul.u32 $0xF7A, s1;
	s8 =	simm.s32 @!p0 $0x1BF5;
	p2 =	por !p2, p0  }
0x20: {  	[sflag:s8] =	ssyncset.s32 @!p0 $0xFFFFF086;
	s6 =	sadd.s32 @!p0 s3, s7;
	s7 =	simm.s32 @!p0 $0x108  }
0x21: {  	s3 =	sadd.s32 s3, s9;
	s6 =	sadd.s32 @!p0 $0x88, s6;
	s7 =	simm.s32 @p2 $0x1082  }
0x22: {  	[simem:s7], [sflag:s8] =	dma.local @!p0 [hbm:s6], $0xF7A  }
0x23: {  	s9 =	sor.u32 $0xD0000000, s2;
	s6 =	simm.s32 $0x108;
	_ =	swait.ge @!p0 [sflag:s8], $0x0  }
0x24: {  	s3 =	sadd.s32 $0x88, s3;
	s6 =	simm.s32 @!p1 $0x1082;
	[sflag:s4] =	ssyncset.s32 $0xFFFFF086  }
0x25: {  	[simem:s6], [sflag:s4] =	dma.local [hbm:s3], $0xF7A  }
0x26: {  	[smem:$0x3F97] =	sst s1;
	(tag) =	ssettag s2;
	_ =	strace s9  }
0x27: {  	s1 =	sld [smem:$0x3FA7]  }
0x28: {  	s2 =	sld [smem:$0x3FA8]  }
0x29: {  	s4 =	sld [smem:$0x3FAA]  }
0x2a: {  	p0 =	seq.s32 s5, $0x0;
	s5 =	sld [smem:$0x3FAB]  }
0x2b: {  	s6 =	sld [smem:$0x3FAC]  }
0x2c: {  	s7 =	sld [smem:$0x3FAD]  }
0x2d: {  	s3 =	simm.s32 $0x108;
	s8 =	sld [smem:$0x3FAE]  }
0x2e: {  	s3 =	simm.s32 @!p0 $0x1082;
	s9 =	sld [smem:$0x3FAF]  }
0x2f: {  	lr =	sadd.s32 s0, s3;
	s0 =	sld [smem:$0x3FA6]  }
0x30: {  	s3 =	sld [smem:$0x3FA9]  }
0x31: {  	[smem:$0x3FB2] =	sst s10  }
0x32: {  	s10 =	sld [smem:$0x3FB0];
	_ =	sdelay $0x3  }
0x33: {  	p0 =	seq.s32 s10, $0x1;
	s10 =	sld [smem:$0x3FB2];
	_ =	sdelay $0x3  }
0x34: {  	[smem:$0x3FB2] =	sst s10  }
0x35: {  	s10 =	sld [smem:$0x3FB1];
	_ =	sdelay $0x3  }
0x36: {  	p1 =	seq.s32 s10, $0x1;
	s10 =	sld [smem:$0x3FB2];
	_ =	sdelay $0x3  }
0x37: {  	[smem:$0x3FB2] =	sst s10  }
0x38: {  	s10 =	sld [smem:$0x3FB3]  }
0x39: {  	_ = 	snop;
	(pc) =	sbr.ind lr, $3  }
0x3a: {  	_ = 	snop  }
0x3b: {  	_ = 	snop  }
0x3c: {  	p2 =	seq.s32 s10, $0x1;
	s10 =	sld [smem:$0x3FB2]  }
0x3d: {  	_ =	shalt  }
0x3e: {  	_ =	shalt  }
0x3f: {  	_ =	shalt  }
0x40: {  	_ =	shalt  }
0x41: {  	_ =	shalt  }
0x42: {  	_ =	shalt  }
0x43: {  	_ =	shalt  }
0x44: {  	_ =	shalt  }
0x45: {  	_ =	shalt  }
0x46: {  	_ =	shalt  }
0x47: {  	_ =	shalt  }
0x48: {  	_ =	shalt  }
0x49: {  	_ =	shalt  }
0x4a: {  	_ =	shalt  }
0x4b: {  	_ =	shalt  }
0x4c: {  	_ =	shalt  }
0x4d: {  	_ =	shalt  }
0x4e: {  	_ =	shalt  }
0x4f: {  	_ =	shalt  }
0x50: {  	_ =	shalt  }
0x51: {  	_ =	shalt  }
0x52: {  	_ =	shalt  }
0x53: {  	_ =	shalt  }
0x54: {  	_ =	shalt  }
0x55: {  	_ =	shalt  }
0x56: {  	_ =	shalt  }
0x57: {  	_ =	shalt  }
0x58: {  	_ =	shalt  }
0x59: {  	_ =	shalt  }
0x5a: {  	_ =	shalt  }
0x5b: {  	_ =	shalt  }
0x5c: {  	_ =	shalt  }
0x5d: {  	_ =	shalt  }
0x5e: {  	_ =	shalt  }
0x5f: {  	_ =	shalt  }
0x60: {  	_ =	shalt  }
0x61: {  	_ =	shalt  }
0x62: {  	_ =	shalt  }
0x63: {  	_ =	shalt  }
0x64: {  	_ =	shalt  }
0x65: {  	_ =	shalt  }
0x66: {  	_ =	shalt  }
0x67: {  	_ =	shalt  }
0x68: {  	_ =	shalt  }
0x69: {  	_ =	shalt  }
0x6a: {  	_ =	shalt  }
0x6b: {  	_ =	shalt  }
0x6c: {  	_ =	shalt  }
0x6d: {  	_ =	shalt  }
0x6e: {  	_ =	shalt  }
0x6f: {  	_ =	shalt  }
0x70: {  	_ =	shalt  }
0x71: {  	_ =	shalt  }
0x72: {  	_ =	shalt  }
0x73: {  	_ =	shalt  }
0x74: {  	_ =	shalt  }
0x75: {  	_ =	shalt  }
0x76: {  	_ =	shalt  }
0x77: {  	_ =	shalt  }
0x78: {  	_ =	shalt  }
0x79: {  	_ =	shalt  }
0x7a: {  	_ =	shalt  }
0x7b: {  	_ =	shalt  }
0x7c: {  	_ =	shalt  }
0x7d: {  	_ =	shalt  }
0x7e: {  	_ =	shalt  }
0x7f: {  	_ =	shalt  }
0x80: {  	_ =	shalt  }
0x81: {  	_ =	shalt  }
0x82: {  	_ =	shalt  }
0x83: {  	_ =	shalt  }
0x84: {  	_ =	shalt  }
0x85: {  	_ =	shalt  }
0x86: {  	_ =	shalt  }
0x87: {  	_ =	shalt  }
.Lfunc_end0:
.L_simem_size_0:
called_computation.2_lowered:
.L_overlay_start_0:
0x88: {  	s2 =	sld [smem:$0x3FD9]  }
0x89: {  	s3 =	sld [smem:$0x3FFE];
	_ =	sdelay $0x1  }
0x8a: {  	s1 =	srdreg.scid  }
0x8b: {  	s0 =	sand.u32 $0x1, s1  }
0x8c: {  	s16 =	sshll.u32 s0, $0xA;
	s2 =	sadd.s32 s3, s2  }
0x8d: {  	s2 =	sadd.s32 s2, s16  }
0x8e: {  	[smem:$0x3FBE] =	sst s2  }
0x8f: {  	_ = 	snop  }
0x90: {  	(tm) =	ssettm $0x1  }
0x91: {  	s17 =	sld [smem:$0x3FFB];
	_ =	sdelay $0x3  }
0x92: {  	_ =	strace s17  }
0x93: {  	s2 =	sld [smem:$0x3FFC];
	_ =	sdelay $0x3  }
0x94: {  	_ =	strace s2  }
0x95: {  	s2 =	sld [smem:$0x3FFD];
	_ =	sdelay $0x3  }
0x96: {  	_ =	strace s2  }
0x97: {  	_ =	strace $0x8FFFFFFF  }
0x98: {  	s18 =	sld [smem:$0x3FDB];
	_ =	sdelay $0x1  }
0x99: {  	s19 =	simm.s32 $_scs_section_size  }
0x9a: {  	s4 =	simm.s32 $_size__tile_overlayer_lowered;
	s5 =	simm.s32 $_tile_overlayer_lowered  }
0x9b: {  	s22 =	simm.s32 $0x1BFF;
	s21 =	sshll.u32 s5, $0x1;
	s2 =	sadd.s32 s19, s18  }
0x9c: {  	s6 =	simm.s32 $0x0;
	s20 =	sshll.u32 s4, $0x1;
	s4 =	sadd.s32 s21, s2  }
0x9d: {  	[timem:s6], [sflag:s22] =	dma.local [hbm:s4], s20  }
0x9e: {  	_ =	swait.ge [sflag:s22], s20  }
0x9f: {  	s3 =	ssub.s32 $0x0, s20;
	[sflag:s22] =	ssyncset.done $0x0  }
0xa0: {  	[sflag:s22] =	ssyncadd.s32 s3;
	_ =	sdelay $0x1  }
0xa1: {  	s23 =	simm.s32 $0x1B8B  }
0xa2: {  	_ =	swait.ge [sflag:s23], $0x1  }
0xa3: {  	[sflag:s23] =	ssyncset.done $0x0  }
0xa4: {  	s25 =	simm.s32 $0x1B8E;
	s24 =	sld [smem:$0x3FFE];
	[sflag:s23] =	ssyncadd.s32 $0xFFFFFFFF  }
0xa5: {  	s26 =	simm.s32 $execute0_lowered;
	[smem:$0x3FD2] =	sst s25  }
0xa6: {  	s4 =	sshll.u32 s26, $0x1;
	_ =	strace $0x8000004C;
	[dreg:$0x1] =	wrdreg $0xFFFFFFFF  }
0xa7: {  	s28 =	simm.s32 $_size_execute0_lowered;
	s2 =	sadd.s32 s2, s4;
	[dreg:$0x0] =	wrdreg $0x0  }
0xa8: {  	s4 =	sshll.u32 s28, $0x1;
	[dreg:$0x2] =	wrdreg s2  }
0xa9: {  	[dreg:$0x3] =	wrdreg s4  }
0xaa: {  	[dreg:$0x4] =	wrdreg $0xC0  }
0xab: {  	_ =	task [dreg:s6], $0x5FFFF  }
0xac: {  	[dreg:$0x1] =	wrdreg $0xFFFFFFFF  }
0xad: {  	[dreg:$0x0] =	wrdreg $0x60  }
0xae: {  	[dreg:$0x2] =	wrdreg s24  }
0xaf: {  	[dreg:$0x3] =	wrdreg $0x70000  }
0xb0: {  	[dreg:$0x4] =	wrdreg $0x9  }
0xb1: {  	_ =	task.clear_ibuf [dreg:s6], $0x5FFFF;
	_ =	strace $0x9000004C  }
0xb2: {  	s29 =	simm.s32 $0x9;
	_ =	strace $0x8000004E  }
0xb3: {  	_ =	swait.ge [sflag:s29], $0x1  }
0xb4: {  	[sflag:s29] =	ssyncadd.s32 $0xFFFFFFFF  }
0xb5: {  	_ =	strace $0x9000004E  }
0xb6: {  	_ =	sfence  }
0xb7: {  	s30 =	sld [smem:$0x0];
	_ =	sdelay $0x2  }
0xb8: {  	s31 =	sshll.u32 s1, $0xD;
	s1 =	sshrl.u32 s1, $0x2  }
0xb9: {  	s3 =	sand.u32 $0x4000, s31;
	s1 =	sadd.s32 s1, s30  }
0xba: {  	s0 =	sor.u32 s3, s0;
	s1 =	sshll.u32 s1, $0x11  }
0xbb: {  	s0 =	sor.u32 s1, s0  }
0xbc: {  	s0 =	sadd.s32 $0x8F2B, s0  }
0xbd: {  	[sflag:s0] =	ssyncadd.remote.s32 $0x1  }
0xbe: {  	_ =	sfence.sel $0xFFFF  }
0xbf: {  	[dreg:$0x0] =	wrdreg $0xFFFFFFFF;
	(pc) =	sbr.abs _section_cstart, $3  }
0xc0: {  	[dreg:$0x1] =	wrdreg $0xFFFFFFFF  }
0xc1: {  	_ =	task.clear_ibuf [dreg:s6], $0x2FFFF;
	_ =	strace $0x9FFFFFFF  }
0xc2: {  	(tm) =	ssettm $0x7FFFFFFF  }
0xc3: {  	_ =	shalt  }
tec
execute0_lowered:
.L_overlay_start_1:
0x0: {  	(tag) =	ssettag $0x1  }
0x1: {  	s0 =	srdreg.scid;
	s6 =	rddreg [dreg:$0x0]  }
0x2: {  	s2 =	rddreg [dreg:$0x1];
	s3 =	simm.s32 $0x0;
	s13 =	simm.s32 $0x1  }
0x3: {  	s14 =	simm.s32 $0x2;
	s15 =	simm.s32 $0x3;
	s16 =	simm.s32 $0x80  }
0x4: {  	s17 =	simm.s32 $0x5000;
	s18 =	simm.s32 $0x6000;
	s19 =	simm.s32 $0x4  }
0x5: {  	s20 =	simm.s32 $0x2780;
	s21 =	simm.s32 $0x4F00;
	s22 =	simm.s32 $0x4F80  }
0x6: {  	s24 =	simm.s32 $0x5;
	s5 =	sand.u32 $0x1, s0;
	s0 =	stileid.u32  }
0x7: {  	s25 =	simm.s32 $0x0;
	[smem:$0x7FF] =	sst s3;
	s8 =	smul.u32 $0x4F00, s0  }
0x8: {  	s4 =	sadd.s32 $0x1D600, s6;
	s1 =	sshll.u32 s5, $0x4;
	s9 =	smul.u32 $0x4F000, s5  }
0x9: {  	s5 =	ssub.s32 $0x2, s5;
	s23 =	sshll.u32 s0, $0x6;
	s1 =	sor.u32 s0, s1  }
0xa: {  	s31 =	sshrl.u32 s5, $0x1;
	s7 =	smul.u32 $0x500, s1;
	s1 =	rddreg [dreg:$0x2]  }
0xb: {  	_ =	strace $0x8000004D;
	s9 =	sadd.s32 s8, s9;
	s10 =	sshrl.u32 s8, $0x3  }
0xc: {  	s11 =	ssub.s32 s5, s31;
	s12 =	sadd.s32 s8, s2;
	s8 =	sor.u32 $0x1C03, s23  }
0xd: {  	s23 =	sor.u32 $0x1C05, s23;
	s9 =	sshrl.u32 s9, $0x3;
	s10 =	sadd.s32 s10, s6  }
0xe: {  	s12 =	sshrl.u32 s12, $0x3;
	s7 =	sadd.s32 s7, s6;
	s9 =	sadd.s32 s9, s6  }
0xf: {  	s5 =	sadd.s32 $0x13600, s7;
	s6 =	sadd.s32 $0x1E00, s7;
	s7 =	sadd.s32 $0x27400, s10  }
0x10: {  	s9 =	sadd.s32 $0x31200, s9;
	s10 =	smax.u32 s11, $0x1;
	s11 =	simm.s32 $0x2800  }
.LBB2_1:
0x11: {  	[tilespmem:s3], [sflag:$0x1] =	stream.linear.gather [hbm4b:s5+s3], $0x2800, $0x38;
	[tilespmem:$0xBF00] =	vst v63  }
0x12: {  	_ = 	snop  }
0x13: {  	[tilespmem:s11], [sflag:$0x2] =	stream.linear.gather [hbm4b:s6+s3], $0x2800, $0x38;
	[tilespmem:$0xBF00] =	vst v63  }
0x14: {  	[spmem:s12], [sflag:s8] =	dma.local [hbm:s7], $0x9E0  }
0x15: {  	_ =	swait.ge [sflag:s13], $0x2800  }
0x16: {  	[sflag:s13] =	ssyncset.done $0x0  }
0x17: {  	[sflag:s13] =	ssyncadd.s32 $0xFFFFD800  }
0x18: {  	_ =	swait.ge [sflag:s14], $0x2800  }
0x19: {  	[sflag:s14] =	ssyncset.done $0x0  }
0x1a: {  	[sflag:s14] =	ssyncadd.s32 $0xFFFFD800  }
0x1b: {  	_ =	swait.ge [sflag:s15], $0x9E0  }
0x1c: {  	[sflag:s15] =	ssyncset.done $0x0  }
0x1d: {  	[sflag:s15] =	ssyncadd.s32 $0xFFFFF620  }
0x1e: {  	[bflag:$0x0] =	sbarrier.arrive $0xFFFF  }
0x1f: {  	[tilespmem:s17], [sflag:$0x1] =	stream.indirect.gather [hbm4b:s4+s16], $0x20, s3, s16, $0xb8;
	[tilespmem:$0xBF00] =	vst v63  }
0x20: {  	s26 =	simm.s32 $0x80  }
0x21: {  	[tilespmem:s18], [sflag:$0x2] =	stream.indirect.gather [hbm4b:s4+s16], $0x20, s26, s16, $0xb8;
	[tilespmem:$0xBF00] =	vst v63  }
0x22: {  	_ =	swait.ge [sflag:s13], $0x1000  }
0x23: {  	[sflag:s13] =	ssyncset.done $0x0  }
0x24: {  	s29 =	simm.s32 $0x2800;
	[sflag:s13] =	ssyncadd.s32 $0xFFFFF000  }
0x25: {  	[spmem:s2] =	stream.indirect.scatter.add.f32 [tilespmem:s17], [sflag:$0x3], $0x20, s29, s16, $0xb8;
	[tilespmem:$0xBF00] =	vst v63  }
0x26: {  	_ =	swait.ge [sflag:s14], $0x1000  }
0x27: {  	[sflag:s14] =	ssyncset.done $0x0  }
0x28: {  	s30 =	simm.s32 $0x2880;
	[sflag:s14] =	ssyncadd.s32 $0xFFFFF000  }
0x29: {  	[spmem:s2] =	stream.indirect.scatter.add.f32 [tilespmem:s18], [sflag:$0x4], $0x20, s30, s16, $0xb8;
	[tilespmem:$0xBF00] =	vst v63  }
0x2a: {  	_ =	swait.ge [sflag:s15], $0x1000  }
0x2b: {  	[sflag:s15] =	ssyncset.done $0x0  }
0x2c: {  	s31 =	simm.s32 $0x100;
	[sflag:s15] =	ssyncadd.s32 $0xFFFFF000  }
0x2d: {  	[tilespmem:s17], [sflag:$0x1] =	stream.indirect.gather [hbm4b:s4+s16], $0x20, s31, s16, $0xb8;
	[tilespmem:$0xBF00] =	vst v63  }
0x2e: {  	_ =	swait.ge [sflag:s19], $0x1000  }
0x2f: {  	s28 =	simm.s32 $0x800;
	s26 =	simm.s32 $0x100;
	[sflag:s19] =	ssyncset.done $0x0  }
.LBB2_2:
0x30: {  	s29 =	sadd.s32 $0x80, s26  }
0x31: {  	[sflag:s19] =	ssyncadd.s32 $0xFFFFF000;
	s30 =	smov.u32 s28;
	s31 =	sadd.s32 $0x400, s28  }
0x32: {  	[tilespmem:s18], [sflag:$0x2] =	stream.indirect.gather [hbm4b:s4+s16], $0x20, s29, s16, $0xb8;
	[tilespmem:$0xBF00] =	vst v63  }
0x33: {  	p0 =	sne.s32 s28, $0x9800;
	_ =	swait.ge [sflag:s13], $0x1000  }
0x34: {  	[sflag:s13] =	ssyncset.done $0x0  }
0x35: {  	s28 =	sadd.s32 $0x2800, s26;
	[sflag:s13] =	ssyncadd.s32 $0xFFFFF000  }
0x36: {  	[spmem:s2] =	stream.indirect.scatter.add.f32 [tilespmem:s17], [sflag:$0x3], $0x20, s28, s16, $0xb8;
	[tilespmem:$0xBF00] =	vst v63  }
0x37: {  	_ =	swait.ge [sflag:s14], $0x1000  }
0x38: {  	[sflag:s14] =	ssyncset.done $0x0  }
0x39: {  	s28 =	sadd.s32 $0x2880, s26;
	[sflag:s14] =	ssyncadd.s32 $0xFFFFF000  }
0x3a: {  	[spmem:s2] =	stream.indirect.scatter.add.f32 [tilespmem:s18], [sflag:$0x4], $0x20, s28, s16, $0xb8;
	[tilespmem:$0xBF00] =	vst v63  }
0x3b: {  	_ =	swait.ge [sflag:s15], $0x1000  }
.Ltmp0:
0x3c: {  	[sflag:s15] =	ssyncset.done $0x0;
	(pc) =	sbr.rel @p0 .LBB2_2-.Ltmp0, $4  }
0x3d: {  	s26 =	sadd.s32 $0x100, s26;
	[sflag:s15] =	ssyncadd.s32 $0xFFFFF000  }
0x3e: {  	[tilespmem:s17], [sflag:$0x1] =	stream.indirect.gather [hbm4b:s4+s16], $0x20, s26, s16, $0xb8;
	[tilespmem:$0xBF00] =	vst v63  }
0x3f: {  	_ =	swait.ge [sflag:s19], $0x1000  }
0x40: {  	s28 =	smov.u32 s31;
	s26 =	sshra.s32 s30, $0x2;
	[sflag:s19] =	ssyncset.done $0x0  }
0x41: {  	s28 =	sadd.s32 $0x80, s26;
	[sflag:s19] =	ssyncadd.s32 $0xFFFFF000  }
0x42: {  	[tilespmem:s18], [sflag:$0x2] =	stream.indirect.gather [hbm4b:s4+s16], $0x20, s28, s16, $0xb8;
	[tilespmem:$0xBF00] =	vst v63  }
0x43: {  	_ =	swait.ge [sflag:s13], $0x1000  }
0x44: {  	[sflag:s13] =	ssyncset.done $0x0  }
0x45: {  	s29 =	sadd.s32 $0x2800, s26;
	[sflag:s13] =	ssyncadd.s32 $0xFFFFF000  }
0x46: {  	[spmem:s2] =	stream.indirect.scatter.add.f32 [tilespmem:s17], [sflag:$0x3], $0x20, s29, s16, $0xb8;
	[tilespmem:$0xBF00] =	vst v63  }
0x47: {  	_ =	swait.ge [sflag:s14], $0x1000  }
0x48: {  	[sflag:s14] =	ssyncset.done $0x0  }
0x49: {  	s30 =	sadd.s32 $0x2880, s26;
	[sflag:s14] =	ssyncadd.s32 $0xFFFFF000  }
0x4a: {  	[spmem:s2] =	stream.indirect.scatter.add.f32 [tilespmem:s18], [sflag:$0x4], $0x20, s30, s16, $0xb8;
	[tilespmem:$0xBF00] =	vst v63  }
0x4b: {  	_ =	swait.ge [sflag:s15], $0x1000  }
0x4c: {  	[sflag:s15] =	ssyncset.done $0x0  }
0x4d: {  	s31 =	sadd.s32 $0x100, s26;
	[sflag:s15] =	ssyncadd.s32 $0xFFFFF000  }
0x4e: {  	[tilespmem:s17], [sflag:$0x1] =	stream.indirect.gather [hbm4b:s4+s16], $0x20, s31, s16, $0xb8;
	[tilespmem:$0xBF00] =	vst v63  }
0x4f: {  	_ =	swait.ge [sflag:s19], $0x1000  }
0x50: {  	[sflag:s19] =	ssyncset.done $0x0  }
0x51: {  	[sflag:s19] =	ssyncadd.s32 $0xFFFFF000  }
0x52: {  	[tilespmem:s18], [sflag:$0x2] =	stream.indirect.gather [hbm4b:s4+s16], $0x20, s20, s16, $0xb8;
	[tilespmem:$0xBF00] =	vst v63  }
0x53: {  	_ =	swait.ge [sflag:s13], $0x1000  }
0x54: {  	[sflag:s13] =	ssyncset.done $0x0  }
0x55: {  	[sflag:s13] =	ssyncadd.s32 $0xFFFFF000  }
0x56: {  	[spmem:s2] =	stream.indirect.scatter.add.f32 [tilespmem:s17], [sflag:$0x3], $0x20, s21, s16, $0xb8;
	[tilespmem:$0xBF00] =	vst v63  }
0x57: {  	_ =	swait.ge [sflag:s14], $0x1000  }
0x58: {  	[sflag:s14] =	ssyncset.done $0x0  }
0x59: {  	[sflag:s14] =	ssyncadd.s32 $0xFFFFF000  }
0x5a: {  	[spmem:s2] =	stream.indirect.scatter.add.f32 [tilespmem:s18], [sflag:$0x4], $0x20, s22, s16, $0xb8;
	[tilespmem:$0xBF00] =	vst v63  }
0x5b: {  	_ =	swait.ge [sflag:s15], $0x1000  }
0x5c: {  	[sflag:s15] =	ssyncset.done $0x0  }
0x5d: {  	[sflag:s15] =	ssyncadd.s32 $0xFFFFF000  }
0x5e: {  	_ =	swait.ge [sflag:s19], $0x1000  }
0x5f: {  	s25 =	sadd.s32 $0x1, s25;
	[sflag:s19] =	ssyncset.done $0x0  }
0x60: {  	p0 =	sne.s32 s25, s10;
	[sflag:s19] =	ssyncadd.s32 $0xFFFFF000  }
.Ltmp1:
0x61: {  	[bflag:$0x0] =	sbarrier.arrive $0xFFFF;
	(pc) =	sbr.rel @p0 .LBB2_1-.Ltmp1, $4  }
0x62: {  	[hbm:s9], [sflag:s23] =	dma.local [spmem:s12], $0x9E0  }
0x63: {  	_ =	swait.ge [sflag:s24], $0x9E0  }
0x64: {  	[sflag:s24] =	ssyncset.done $0x0  }
0x65: {  	[sflag:s24] =	ssyncadd.s32 $0xFFFFF620  }
0x66: {  	_ =	sfence.sel $0x180000  }
0x67: {  	[bflag:$0x0] =	sbarrier.arrive $0xFFFF  }
0x68: {  	p0 =	sne.s32 s0, $0x0;
	_ =	strace $0x9000004D  }
0x69: {  	s0 =	sadd.s32 @!p0 $0x100000, s1;
	[bflag:$0x2] =	sbarrier.arrive $0xFFFF  }
0x6a: {  	[sflag:s0] =	ssyncadd.tile.s32 @!p0 $0x1;
	_ =	shalt  }
.Lfunc_end2:
_tile_overlayer_lowered:
.L_overlay_start_2:
0x6b: {  	(tag) =	ssettag $0x2  }
0x6c: {  	s0 =	rddreg [dreg:$0x0];
	s2 =	stileid.u32  }
0x6d: {  	s1 =	rddreg [dreg:$0x1];
	p0 =	sne.s32 s2, $0x0  }
0x6e: {  	s3 =	rddreg [dreg:$0x2];
	[bflag:$0x3] =	sbarrier.arrive $0xFFFF;
	s2 =	simm.s32 @!p0 $0x1C05  }
0x6f: {  	[timem:s3], [sflag:s2] =	dma.local @!p0 [hbm:s0], s1  }
0x70: {  	s0 =	simm.s32 @!p0 $0x5  }
0x71: {  	_ =	swait.ge @!p0 [sflag:s0], s1  }
0x72: {  	s1 =	ssub.s32 @!p0 $0x0, s1;
	[sflag:s0] =	ssyncset.done @!p0 $0x0  }
0x73: {  	[sflag:s0] =	ssyncadd.s32 @!p0 s1  }
0x74: {  	[bflag:$0x3] =	sbarrier.arrive $0xFFFF  }
0x75: {  	_ =	shalt  }

// kernel: kernel.8.cloned.1.call-start
scs
__scs_entry_jumppad:
0x0: {  	(pc) =	sbr.rel $0x88, $3  }
0x1: {  	(tag) =	ssettag $0x0;
	lr =	simm.s32 $0x1  }
0x2: {  	[smem:$0x3F97] =	sst lr;
	_ =	strace $0xD0000000  }
0x3: {  	_ = 	snop  }
0x4: {  	_ = 	snop  }
0x5: {  	_ = 	snop  }
0x6: {  	_ = 	snop  }
0x7: {  	_ = 	snop  }
__scs_overlays_trampoline_lowered:
0x8: {  	[smem:$0x3FA6] =	sst s0  }
0x9: {  	[smem:$0x3FA7] =	sst s1  }
0xa: {  	[smem:$0x3FA8] =	sst s2  }
0xb: {  	[smem:$0x3FA9] =	sst s3  }
0xc: {  	[smem:$0x3FAA] =	sst s4  }
0xd: {  	[smem:$0x3FAB] =	sst s5  }
0xe: {  	[smem:$0x3FAC] =	sst s6  }
0xf: {  	[smem:$0x3FAD] =	sst s7  }
0x10: {  	[smem:$0x3FAE] =	sst s8  }
0x11: {  	[smem:$0x3FAF] =	sst s9;
	s0 =	simm.s32 @!p0 $0x0  }
0x12: {  	s1 =	sld [smem:$0x3F95];
	s0 =	simm.s32 @p0 $0x1  }
0x13: {  	[smem:$0x3FB0] =	sst s0;
	s0 =	simm.s32 @!p1 $0x0  }
0x14: {  	s2 =	sld [smem:$0x3F94];
	s0 =	simm.s32 @p1 $0x1  }
0x15: {  	[smem:$0x3FB1] =	sst s0;
	s0 =	simm.s32 @!p2 $0x0  }
0x16: {  	s3 =	sld [smem:$0x3FDB];
	s0 =	simm.s32 @p2 $0x1  }
0x17: {  	s4 =	simm.s32 $0x1BF5;
	[smem:$0x3FB3] =	sst s0  }
0x18: {  	s0 =	sld [smem:$0x3F96];
	_ =	swait.ge [sflag:s4], $0x0  }
0x19: {  	s7 =	sld [smem:$0x3F97]  }
0x1a: {  	s8 =	sadd.s32 $0xFFFFE003, lr  }
0x1b: {  	s9 =	sadd.s32 $0xFFFFFEF7, lr;
	s5 =	simm.s32 $0xFFFFFFFF;
	p2 =	slt.u32 s8, $0xFFFFF086  }
0x1c: {  	p1 =	slt.u32 s9, $0xF7A;
	s5 =	simm.s32 @!p2 $0x0  }
0x1d: {  	s5 =	simm.s32 @p1 $0x1;
	p0 =	seq.s32 s7, s2  }
0x1e: {  	s7 =	smul.u32 @!p0 $0xF7A, s2;
	p2 =	seq.s32 @!p0 s5, $0x0  }
0x1f: {  	s9 =	smul.u32 $0xF7A, s1;
	s8 =	simm.s32 @!p0 $0x1BF5;
	p2 =	por !p2, p0  }
0x20: {  	[sflag:s8] =	ssyncset.s32 @!p0 $0xFFFFF086;
	s6 =	sadd.s32 @!p0 s3, s7;
	s7 =	simm.s32 @!p0 $0x108  }
0x21: {  	s3 =	sadd.s32 s3, s9;
	s6 =	sadd.s32 @!p0 $0x88, s6;
	s7 =	simm.s32 @p2 $0x1082  }
0x22: {  	[simem:s7], [sflag:s8] =	dma.local @!p0 [hbm:s6], $0xF7A  }
0x23: {  	s9 =	sor.u32 $0xD0000000, s2;
	s6 =	simm.s32 $0x108;
	_ =	swait.ge @!p0 [sflag:s8], $0x0  }
0x24: {  	s3 =	sadd.s32 $0x88, s3;
	s6 =	simm.s32 @!p1 $0x1082;
	[sflag:s4] =	ssyncset.s32 $0xFFFFF086  }
0x25: {  	[simem:s6], [sflag:s4] =	dma.local [hbm:s3], $0xF7A  }
0x26: {  	[smem:$0x3F97] =	sst s1;
	(tag) =	ssettag s2;
	_ =	strace s9  }
0x27: {  	s1 =	sld [smem:$0x3FA7]  }
0x28: {  	s2 =	sld [smem:$0x3FA8]  }
0x29: {  	s4 =	sld [smem:$0x3FAA]  }
0x2a: {  	p0 =	seq.s32 s5, $0x0;
	s5 =	sld [smem:$0x3FAB]  }
0x2b: {  	s6 =	sld [smem:$0x3FAC]  }
0x2c: {  	s7 =	sld [smem:$0x3FAD]  }
0x2d: {  	s3 =	simm.s32 $0x108;
	s8 =	sld [smem:$0x3FAE]  }
0x2e: {  	s3 =	simm.s32 @!p0 $0x1082;
	s9 =	sld [smem:$0x3FAF]  }
0x2f: {  	lr =	sadd.s32 s0, s3;
	s0 =	sld [smem:$0x3FA6]  }
0x30: {  	s3 =	sld [smem:$0x3FA9]  }
0x31: {  	[smem:$0x3FB2] =	sst s10  }
0x32: {  	s10 =	sld [smem:$0x3FB0];
	_ =	sdelay $0x3  }
0x33: {  	p0 =	seq.s32 s10, $0x1;
	s10 =	sld [smem:$0x3FB2];
	_ =	sdelay $0x3  }
0x34: {  	[smem:$0x3FB2] =	sst s10  }
0x35: {  	s10 =	sld [smem:$0x3FB1];
	_ =	sdelay $0x3  }
0x36: {  	p1 =	seq.s32 s10, $0x1;
	s10 =	sld [smem:$0x3FB2];
	_ =	sdelay $0x3  }
0x37: {  	[smem:$0x3FB2] =	sst s10  }
0x38: {  	s10 =	sld [smem:$0x3FB3]  }
0x39: {  	_ = 	snop;
	(pc) =	sbr.ind lr, $3  }
0x3a: {  	_ = 	snop  }
0x3b: {  	_ = 	snop  }
0x3c: {  	p2 =	seq.s32 s10, $0x1;
	s10 =	sld [smem:$0x3FB2]  }
0x3d: {  	_ =	shalt  }
0x3e: {  	_ =	shalt  }
0x3f: {  	_ =	shalt  }
0x40: {  	_ =	shalt  }
0x41: {  	_ =	shalt  }
0x42: {  	_ =	shalt  }
0x43: {  	_ =	shalt  }
0x44: {  	_ =	shalt  }
0x45: {  	_ =	shalt  }
0x46: {  	_ =	shalt  }
0x47: {  	_ =	shalt  }
0x48: {  	_ =	shalt  }
0x49: {  	_ =	shalt  }
0x4a: {  	_ =	shalt  }
0x4b: {  	_ =	shalt  }
0x4c: {  	_ =	shalt  }
0x4d: {  	_ =	shalt  }
0x4e: {  	_ =	shalt  }
0x4f: {  	_ =	shalt  }
0x50: {  	_ =	shalt  }
0x51: {  	_ =	shalt  }
0x52: {  	_ =	shalt  }
0x53: {  	_ =	shalt  }
0x54: {  	_ =	shalt  }
0x55: {  	_ =	shalt  }
0x56: {  	_ =	shalt  }
0x57: {  	_ =	shalt  }
0x58: {  	_ =	shalt  }
0x59: {  	_ =	shalt  }
0x5a: {  	_ =	shalt  }
0x5b: {  	_ =	shalt  }
0x5c: {  	_ =	shalt  }
0x5d: {  	_ =	shalt  }
0x5e: {  	_ =	shalt  }
0x5f: {  	_ =	shalt  }
0x60: {  	_ =	shalt  }
0x61: {  	_ =	shalt  }
0x62: {  	_ =	shalt  }
0x63: {  	_ =	shalt  }
0x64: {  	_ =	shalt  }
0x65: {  	_ =	shalt  }
0x66: {  	_ =	shalt  }
0x67: {  	_ =	shalt  }
0x68: {  	_ =	shalt  }
0x69: {  	_ =	shalt  }
0x6a: {  	_ =	shalt  }
0x6b: {  	_ =	shalt  }
0x6c: {  	_ =	shalt  }
0x6d: {  	_ =	shalt  }
0x6e: {  	_ =	shalt  }
0x6f: {  	_ =	shalt  }
0x70: {  	_ =	shalt  }
0x71: {  	_ =	shalt  }
0x72: {  	_ =	shalt  }
0x73: {  	_ =	shalt  }
0x74: {  	_ =	shalt  }
0x75: {  	_ =	shalt  }
0x76: {  	_ =	shalt  }
0x77: {  	_ =	shalt  }
0x78: {  	_ =	shalt  }
0x79: {  	_ =	shalt  }
0x7a: {  	_ =	shalt  }
0x7b: {  	_ =	shalt  }
0x7c: {  	_ =	shalt  }
0x7d: {  	_ =	shalt  }
0x7e: {  	_ =	shalt  }
0x7f: {  	_ =	shalt  }
0x80: {  	_ =	shalt  }
0x81: {  	_ =	shalt  }
0x82: {  	_ =	shalt  }
0x83: {  	_ =	shalt  }
0x84: {  	_ =	shalt  }
0x85: {  	_ =	shalt  }
0x86: {  	_ =	shalt  }
0x87: {  	_ =	shalt  }
.Lfunc_end0:
.L_simem_size_0:
called_computation_lowered:
.L_overlay_start_0:
0x88: {  	s2 =	sld [smem:$0x3FD9]  }
0x89: {  	s3 =	sld [smem:$0x3FFE];
	_ =	sdelay $0x1  }
0x8a: {  	s1 =	srdreg.scid  }
0x8b: {  	s0 =	sand.u32 $0x1, s1  }
0x8c: {  	s17 =	sshll.u32 s0, $0xA;
	s2 =	sadd.s32 s3, s2  }
0x8d: {  	s2 =	sadd.s32 s2, s17  }
0x8e: {  	[smem:$0x3FBE] =	sst s2  }
0x8f: {  	_ = 	snop  }
0x90: {  	s2 =	sld [smem:$0x3FD0];
	(tm) =	ssettm $0x1  }
0x91: {  	s18 =	sld [smem:$0x3FFB];
	_ =	sdelay $0x3  }
0x92: {  	_ =	strace s18  }
0x93: {  	s3 =	sld [smem:$0x3FFC];
	_ =	sdelay $0x3  }
0x94: {  	_ =	strace s3  }
0x95: {  	s3 =	sld [smem:$0x3FFD];
	_ =	sdelay $0x3  }
0x96: {  	_ =	strace s3  }
0x97: {  	_ =	strace $0x8FFFFFFF  }
0x98: {  	s19 =	sld [smem:$0x3FDB];
	_ =	sdelay $0x1  }
0x99: {  	s4 =	simm.s32 $_scs_section_size  }
0x9a: {  	s5 =	simm.s32 $_size__tile_overlayer_lowered;
	s6 =	simm.s32 $_tile_overlayer_lowered  }
0x9b: {  	s22 =	simm.s32 $0x1BFF;
	s21 =	sshll.u32 s6, $0x1;
	s3 =	sadd.s32 s4, s19  }
0x9c: {  	s7 =	simm.s32 $0x0;
	s20 =	sshll.u32 s5, $0x1;
	s5 =	sadd.s32 s21, s3  }
0x9d: {  	[timem:s7], [sflag:s22] =	dma.local [hbm:s5], s20  }
0x9e: {  	_ =	swait.ge [sflag:s22], s20  }
0x9f: {  	s4 =	ssub.s32 $0x0, s20;
	[sflag:s22] =	ssyncset.done $0x0  }
0xa0: {  	[sflag:s22] =	ssyncadd.s32 s4;
	_ =	sdelay $0x1  }
0xa1: {  	s23 =	simm.s32 $0x1B8B  }
0xa2: {  	_ =	swait.ge [sflag:s23], $0x1  }
0xa3: {  	[sflag:s23] =	ssyncset.done $0x0  }
0xa4: {  	s25 =	simm.s32 $0x1B8E;
	s24 =	sld [smem:$0x3FFE];
	[sflag:s23] =	ssyncadd.s32 $0xFFFFFFFF  }
0xa5: {  	s26 =	simm.s32 $execute0_lowered;
	[smem:$0x3FD2] =	sst s25  }
0xa6: {  	s5 =	sshll.u32 s26, $0x1;
	_ =	strace $0x80000046;
	[dreg:$0x1] =	wrdreg $0xFFFFFFFF  }
0xa7: {  	s28 =	simm.s32 $_size_execute0_lowered;
	s3 =	sadd.s32 s3, s5;
	[dreg:$0x0] =	wrdreg $0x0  }
0xa8: {  	s5 =	sshll.u32 s28, $0x1;
	[dreg:$0x2] =	wrdreg s3  }
0xa9: {  	[dreg:$0x3] =	wrdreg s5  }
0xaa: {  	[dreg:$0x4] =	wrdreg $0xC0  }
0xab: {  	_ =	task [dreg:s7], $0x5FFFF  }
0xac: {  	[dreg:$0x1] =	wrdreg $0xFFFFFFFF  }
0xad: {  	[dreg:$0x0] =	wrdreg $0x60  }
0xae: {  	[dreg:$0x2] =	wrdreg s24  }
0xaf: {  	[dreg:$0x3] =	wrdreg s2  }
0xb0: {  	[dreg:$0x4] =	wrdreg $0x2C000  }
0xb1: {  	[dreg:$0x5] =	wrdreg $0x9  }
0xb2: {  	_ =	task.clear_ibuf [dreg:s7], $0x6FFFF;
	_ =	strace $0x90000046  }
0xb3: {  	s29 =	simm.s32 $0x9;
	_ =	strace $0x80000048  }
0xb4: {  	_ =	swait.ge [sflag:s29], $0x1  }
0xb5: {  	[sflag:s29] =	ssyncadd.s32 $0xFFFFFFFF  }
0xb6: {  	_ =	strace $0x90000048  }
0xb7: {  	_ =	sfence  }
0xb8: {  	s30 =	sld [smem:$0x0];
	_ =	sdelay $0x2  }
0xb9: {  	s31 =	sshll.u32 s1, $0xD;
	s1 =	sshrl.u32 s1, $0x2  }
0xba: {  	s3 =	sand.u32 $0x4000, s31;
	s1 =	sadd.s32 s1, s30  }
0xbb: {  	s0 =	sor.u32 s3, s0;
	s1 =	sshll.u32 s1, $0x11  }
0xbc: {  	s0 =	sor.u32 s1, s0  }
0xbd: {  	s0 =	sadd.s32 $0x8F2B, s0  }
0xbe: {  	[sflag:s0] =	ssyncadd.remote.s32 $0x1  }
0xbf: {  	_ =	sfence.sel $0xFFFF  }
0xc0: {  	[dreg:$0x0] =	wrdreg $0xFFFFFFFF;
	(pc) =	sbr.abs _section_cstart, $3  }
0xc1: {  	[dreg:$0x1] =	wrdreg $0xFFFFFFFF  }
0xc2: {  	_ =	task.clear_ibuf [dreg:s7], $0x2FFFF;
	_ =	strace $0x9FFFFFFF  }
0xc3: {  	(tm) =	ssettm $0x7FFFFFFF  }
tec
execute0_lowered:
.L_overlay_start_1:
0x0: {  	(tag) =	ssettag $0x1  }
0x1: {  	s6 =	rddreg [dreg:$0x0]  }
0x2: {  	s0 =	srdreg.scid;
	s2 =	rddreg [dreg:$0x1]  }
0x3: {  	s3 =	rddreg [dreg:$0x2];
	s4 =	simm.s32 $0x0;
	s13 =	simm.s32 $0x80  }
0x4: {  	s14 =	simm.s32 $0x0;
	s5 =	sand.u32 $0x1, s0;
	s0 =	stileid.u32  }
0x5: {  	[smem:$0x7FF] =	sst s4;
	s1 =	sshll.u32 s5, $0x4;
	s8 =	smul.u32 $0x13C0, s0  }
0x6: {  	s9 =	smul.u32 $0x13C00, s5;
	s5 =	ssub.s32 $0x2, s5;
	s1 =	sor.u32 s0, s1  }
0x7: {  	s31 =	sshll.u32 s0, $0x6;
	s11 =	sshrl.u32 s5, $0x1;
	s7 =	smul.u32 $0x500, s1  }
0x8: {  	s1 =	rddreg [dreg:$0x3];
	_ =	strace $0x80000047;
	s9 =	sadd.s32 s8, s9  }
0x9: {  	s10 =	sshrl.u32 s8, $0x3;
	s11 =	ssub.s32 s5, s11;
	s12 =	sadd.s32 s8, s3  }
0xa: {  	s9 =	sshrl.u32 s9, $0x3;
	s10 =	sadd.s32 s10, s6;
	s8 =	smax.u32 s11, $0x1  }
0xb: {  	s11 =	sor.u32 $0x1C01, s31;
	s12 =	sshrl.u32 s12, $0x3;
	s7 =	sadd.s32 s7, s6  }
0xc: {  	s9 =	sadd.s32 s9, s6;
	s6 =	sadd.s32 $0xBE00, s10;
	s10 =	simm.s32 $0x2800  }
0xd: {  	s5 =	sadd.s32 $0x1E00, s7;
	s7 =	sadd.s32 $0xE600, s9;
	s9 =	simm.s32 $0x1  }
.LBB2_1:
0xe: {  	[tilespmem:s4], [sflag:$0x1] =	stream.linear.gather [hbm4b:s5+s4], $0x2800, $0x38;
	[tilespmem:$0x3FC0] =	vst v63  }
0xf: {  	_ =	swait.ge [sflag:s9], $0x2800  }
0x10: {  	[sflag:s9] =	ssyncset.done $0x0  }
0x11: {  	[sflag:s9] =	ssyncadd.s32 $0xFFFFD800  }
0x12: {  	[tilespmem:s10], [sflag:$0x1] =	stream.linear.gather [hbm4b:s2+s4], $0x400, $0x38;
	[tilespmem:$0x3FC0] =	vst v63  }
0x13: {  	_ =	swait.ge [sflag:s9], $0x400  }
0x14: {  	[sflag:s9] =	ssyncset.done $0x0  }
0x15: {  	[sflag:s9] =	ssyncadd.s32 $0xFFFFFC00  }
0x16: {  	[spmem:s12], [sflag:s11] =	dma.local [hbm:s6], $0x278  }
0x17: {  	_ =	swait.ge [sflag:s9], $0x278  }
0x18: {  	[sflag:s9] =	ssyncset.done $0x0  }
0x19: {  	[sflag:s9] =	ssyncadd.s32 $0xFFFFFD88  }
0x1a: {  	s15 =	simm.s32 $0x0;
	[bflag:$0x0] =	sbarrier.arrive $0xFFFF  }
0x1b: {  	[spmem:s3] =	stream.indirect.scatter.add.f32 [tilespmem:s10], [sflag:$0x1], $0x8, s15, s13, $0xb8;
	[tilespmem:$0x3FC0] =	vst v63  }
0x1c: {  	_ =	swait.ge [sflag:s9], $0x400  }
0x1d: {  	s15 =	simm.s32 $0x200;
	[sflag:s9] =	ssyncset.done $0x0  }
.LBB2_2:
0x1e: {  	s16 =	sshra.s32 s15, $0x2;
	[sflag:s9] =	ssyncadd.s32 $0xFFFFFC00;
	p0 =	sne.s32 s15, $0x9E00  }
0x1f: {  	[spmem:s3] =	stream.indirect.scatter.add.f32 [tilespmem:s10], [sflag:$0x1], $0x8, s16, s13, $0xb8;
	[tilespmem:$0x3FC0] =	vst v63  }
.Ltmp0:
0x20: {  	_ = 	snop;
	(pc) =	sbr.rel @p0 .LBB2_2-.Ltmp0, $4  }
0x21: {  	_ = 	snop  }
0x22: {  	s15 =	sadd.s32 $0x200, s15  }
0x23: {  	_ =	swait.ge [sflag:s9], $0x400  }
0x24: {  	[sflag:s9] =	ssyncset.done $0x0  }
0x25: {  	s14 =	sadd.s32 $0x1, s14  }
0x26: {  	[sflag:s9] =	ssyncadd.s32 $0xFFFFFC00;
	p0 =	sne.s32 s14, s8  }
.Ltmp1:
0x27: {  	[bflag:$0x0] =	sbarrier.arrive $0xFFFF;
	(pc) =	sbr.rel @p0 .LBB2_1-.Ltmp1, $4  }
0x28: {  	[hbm:s7], [sflag:s11] =	dma.local [spmem:s12], $0x278  }
0x29: {  	_ =	swait.ge [sflag:s9], $0x278  }
0x2a: {  	[sflag:s9] =	ssyncset.done $0x0  }
0x2b: {  	[sflag:s9] =	ssyncadd.s32 $0xFFFFFD88  }
0x2c: {  	_ =	sfence.sel $0x180000  }
0x2d: {  	[bflag:$0x0] =	sbarrier.arrive $0xFFFF  }
0x2e: {  	p0 =	sne.s32 s0, $0x0;
	_ =	strace $0x90000047  }
0x2f: {  	s0 =	sadd.s32 @!p0 $0x100000, s1;
	[bflag:$0x2] =	sbarrier.arrive $0xFFFF  }
0x30: {  	[sflag:s0] =	ssyncadd.tile.s32 @!p0 $0x1;
	_ =	shalt  }
.Lfunc_end2:
_tile_overlayer_lowered:
.L_overlay_start_2:
0x31: {  	(tag) =	ssettag $0x2  }
0x32: {  	s0 =	rddreg [dreg:$0x0];
	s2 =	stileid.u32  }
0x33: {  	s1 =	rddreg [dreg:$0x1];
	p0 =	sne.s32 s2, $0x0  }
0x34: {  	s3 =	rddreg [dreg:$0x2];
	[bflag:$0x3] =	sbarrier.arrive $0xFFFF;
	s2 =	simm.s32 @!p0 $0x1C01  }
0x35: {  	[timem:s3], [sflag:s2] =	dma.local @!p0 [hbm:s0], s1  }
0x36: {  	s0 =	simm.s32 @!p0 $0x1  }
0x37: {  	_ =	swait.ge @!p0 [sflag:s0], s1  }
0x38: {  	s1 =	ssub.s32 @!p0 $0x0, s1;
	[sflag:s0] =	ssyncset.done @!p0 $0x0  }
0x39: {  	[sflag:s0] =	ssyncadd.s32 @!p0 s1  }
0x3a: {  	[bflag:$0x3] =	sbarrier.arrive $0xFFFF  }
0x3b: {  	_ =	shalt  }

</sc_bundles>
